<compile_context>
chip_gen: v7x
topology: tpu7x:2x2x1
jax: 0.10.2.dev20260603
libtpu: 0.0.44.dev20260713+nightly
codegen_flags: <defaults>
</compile_context>

<pallas_src>
import functools

import jax
import jax.numpy as jnp
from jax import lax
from jax.experimental import pallas as pl
from jax.experimental.pallas import tpu as pltpu
from jax.experimental.pallas import tpu_sc as plsc

N = 10000
E = 320000
D_IN = 128
D_HID = 256
D_OUT = 128

NC = 2
NS = 16
NW = NC * NS

PADN = 10240
STRIP = PADN // NS
CH = 128

EP = 323584
EPW = EP // NW
T_AGG = EPW // CH

DEG_EPW = E // NW
T_DEG = DEG_EPW // CH
DEG_TAIL = DEG_EPW - T_DEG * CH

_mesh = plsc.VectorSubcoreMesh(core_axis_name="c", subcore_axis_name="s")
_sc_params = pltpu.CompilerParams(
    use_tc_tiling_on_sc=False, needs_layout_passes=False)


@functools.partial(
    pl.kernel,
    mesh=_mesh,
    compiler_params=_sc_params,
    out_type=jax.ShapeDtypeStruct((NC, 2, PADN), jnp.float32),
    scratch_types=[
        pltpu.VMEM((PADN,), jnp.float32),
        pltpu.VMEM((PADN,), jnp.float32),
        pltpu.VMEM((CH,), jnp.int32),
        pltpu.VMEM((CH,), jnp.int32),
        pltpu.VMEM((DEG_TAIL,), jnp.int32),
        pltpu.VMEM((DEG_TAIL,), jnp.int32),
        pltpu.VMEM((STRIP,), jnp.float32),
        pltpu.VMEM((STRIP,), jnp.float32),
        pltpu.VMEM_SHARED((NS, 2, PADN), jnp.float32),
    ],
)
def _deg_sc(src_hbm, dst_hbm, out_hbm, dsrc, ddst, sbuf, dbuf, stail, dtail,
            abuf, ibuf, stg):
    c = lax.axis_index("c")
    s = lax.axis_index("s")
    wid = c * NS + s
    zero16 = jnp.zeros((16,), jnp.float32)
    one16 = jnp.ones((16,), jnp.float32)

    def zbody(i, _):
        dsrc[pl.ds(i * 16, 16)] = zero16
        ddst[pl.ds(i * 16, 16)] = zero16
        return 0

    lax.fori_loop(0, PADN // 16, zbody, 0)

    def ebody(t, _):
        base = pl.multiple_of(wid * DEG_EPW + t * CH, 8)
        pltpu.sync_copy(src_hbm.at[pl.ds(base, CH)], sbuf)
        pltpu.sync_copy(dst_hbm.at[pl.ds(base, CH)], dbuf)
        for g in range(CH // 16):
            plsc.addupdate_scatter(dsrc, [sbuf[pl.ds(g * 16, 16)]], one16)
            plsc.addupdate_scatter(ddst, [dbuf[pl.ds(g * 16, 16)]], one16)
        return 0

    lax.fori_loop(0, T_DEG, ebody, 0)

    tbase = pl.multiple_of(wid * DEG_EPW + T_DEG * CH, 8)
    pltpu.sync_copy(src_hbm.at[pl.ds(tbase, DEG_TAIL)], stail)
    pltpu.sync_copy(dst_hbm.at[pl.ds(tbase, DEG_TAIL)], dtail)
    plsc.addupdate_scatter(dsrc, [stail[...]], one16)
    plsc.addupdate_scatter(ddst, [dtail[...]], one16)

    pltpu.sync_copy(dsrc, stg.at[s, 0])
    pltpu.sync_copy(ddst, stg.at[s, 1])
    plsc.subcore_barrier()

    off = pl.multiple_of(s * STRIP, 8)
    for which in (0, 1):
        pltpu.sync_copy(stg.at[0, which, pl.ds(off, STRIP)], abuf)

        def tbody(t, _):
            pltpu.sync_copy(stg.at[t, which, pl.ds(off, STRIP)], ibuf)

            def kbody(k, _):
                sl = pl.ds(k * 16, 16)
                abuf[sl] = abuf[sl] + ibuf[sl]
                return 0

            lax.fori_loop(0, STRIP // 16, kbody, 0)
            return 0

        lax.fori_loop(1, NS, tbody, 0)
        pltpu.sync_copy(abuf, out_hbm.at[c, which, pl.ds(off, STRIP)])


@functools.partial(
    pl.kernel,
    mesh=_mesh,
    compiler_params=_sc_params,
    out_type=jax.ShapeDtypeStruct((NC, PADN, D_IN), jnp.float32),
    scratch_types=[
        pltpu.VMEM((CH,), jnp.int32),
        pltpu.VMEM((CH,), jnp.int32),
        pltpu.VMEM((CH, D_IN), jnp.float32),
        pltpu.VMEM((CH, D_IN), jnp.float32),
        pltpu.VMEM_SHARED((PADN, D_IN), jnp.float32),
        pltpu.SemaphoreType.DMA,
    ],
)
def _agg_sc(src_hbm, dst_hbm, feat_hbm, out_hbm, sidx, didx, rows, zbuf, acc, sem):
    c = lax.axis_index("c")
    s = lax.axis_index("s")
    wid = c * NS + s
    zero16 = jnp.zeros((16,), jnp.float32)

    def zbody(i, _):
        r = i // (D_IN // 16)
        g = i % (D_IN // 16)
        zbuf[r, pl.ds(g * 16, 16)] = zero16
        return 0

    lax.fori_loop(0, CH * D_IN // 16, zbody, 0)

    off = s * STRIP
    for j in range(STRIP // CH):
        pltpu.sync_copy(zbuf, acc.at[pl.ds(off + j * CH, CH)])
    plsc.subcore_barrier()

    def ebody(t, _):
        base = pl.multiple_of(wid * EPW + t * CH, 8)
        pltpu.sync_copy(src_hbm.at[pl.ds(base, CH)], sidx)
        pltpu.sync_copy(dst_hbm.at[pl.ds(base, CH)], didx)
        pltpu.async_copy(feat_hbm.at[sidx], rows, sem).wait()
        pltpu.sync_copy(rows, acc.at[didx], add=True)
        return 0

    lax.fori_loop(0, T_AGG, ebody, 0)
    plsc.subcore_barrier()

    pltpu.sync_copy(acc.at[pl.ds(off, STRIP)], out_hbm.at[c, pl.ds(off, STRIP)])


def _xs_body(x_ref, deg_ref, o_ref):
    d = deg_ref[...]
    ns = lax.rsqrt(d[0, 0] + d[1, 0] + 1.0)
    o_ref[...] = x_ref[...] * ns


def _mid_body(p_ref, xs_ref, deg_ref, w1_ref, b1_ref, w2_ref, o_ref):
    d = deg_ref[...]
    ns = lax.rsqrt(d[0, 0] + d[1, 0] + 1.0)
    nd = lax.rsqrt(d[0, 1] + d[1, 1] + 1.0)
    agg = (p_ref[0] + p_ref[1] + xs_ref[...]) * nd
    h1 = jnp.dot(agg, w1_ref[...], preferred_element_type=jnp.float32)
    h1 = jnp.maximum(h1 + b1_ref[...], 0.0)
    o_ref[...] = jnp.dot(h1 * ns, w2_ref[...], preferred_element_type=jnp.float32)


def _fin_body(p_ref, z_ref, deg_ref, b2_ref, o_ref):
    d = deg_ref[...]
    nd = lax.rsqrt(d[0, 1] + d[1, 1] + 1.0)
    agg = (p_ref[0] + p_ref[1] + z_ref[...]) * nd
    o_ref[...] = jnp.maximum(agg + b2_ref[...], 0.0)


_RB = 2000
_G = N // _RB

_deg_spec = pl.BlockSpec((NC, 2, _RB, 1), lambda i: (0, 0, i, 0))
_p_spec = pl.BlockSpec((NC, _RB, D_IN), lambda i: (0, i, 0))
_row_spec = pl.BlockSpec((_RB, D_IN), lambda i: (i, 0))

_xs_tc = pl.pallas_call(
    _xs_body,
    grid=(_G,),
    in_specs=[_row_spec, _deg_spec],
    out_specs=_row_spec,
    out_shape=jax.ShapeDtypeStruct((N, D_IN), jnp.float32),
)

_mid_tc = pl.pallas_call(
    _mid_body,
    grid=(_G,),
    in_specs=[
        _p_spec,
        _row_spec,
        _deg_spec,
        pl.BlockSpec((D_IN, D_HID), lambda i: (0, 0)),
        pl.BlockSpec((1, D_HID), lambda i: (0, 0)),
        pl.BlockSpec((D_HID, D_OUT), lambda i: (0, 0)),
    ],
    out_specs=_row_spec,
    out_shape=jax.ShapeDtypeStruct((N, D_OUT), jnp.float32),
)

_fin_tc = pl.pallas_call(
    _fin_body,
    grid=(_G,),
    in_specs=[
        _p_spec,
        _row_spec,
        _deg_spec,
        pl.BlockSpec((1, D_OUT), lambda i: (0, 0)),
    ],
    out_specs=_row_spec,
    out_shape=jax.ShapeDtypeStruct((N, D_OUT), jnp.float32),
)


def kernel(x, edge_index, W1, b1, W2, b2):
    npad = EP - E
    pad = jnp.stack([
        jnp.zeros((npad,), jnp.int32),
        jnp.full((npad,), N, jnp.int32),
    ])
    ep = jnp.concatenate([edge_index, pad], axis=1)
    srcp = ep[0]
    dstp = ep[1]

    degs = _deg_sc(srcp, dstp)
    degs4 = degs[:, :, :, None]

    xs = _xs_tc(x, degs4)
    p1 = _agg_sc(srcp, dstp, xs)
    z = _mid_tc(p1, xs, degs4, W1, b1.reshape(1, D_HID), W2)
    p2 = _agg_sc(srcp, dstp, z)
    return _fin_tc(p2, z, degs4, b2.reshape(1, D_OUT))

# --- scband reference (transcript-rebuilt; emitter-appended) ---
"""Pipeline reference for scband-secomm-encoder-52853867544720 (READ-ONLY COPY).

The authoritative reference and input builder live on the scoring server;
editing this copy changes nothing except your own understanding.
"""

import jax, jax.numpy as jnp
import numpy as np

N = 10000
E = 320000
D_IN = 128
D_OUT = 128
D_HID = 2 * D_OUT  # k=2: layer0 is in->2*out, layer1 is 2*out->out


def setup_inputs(seed: int = 0) -> dict:
    key = jax.random.key(seed)
    k1, k2, k3, k4, k5, k6 = jax.random.split(key, 6)
    x = jax.random.normal(k1, (N, D_IN), dtype=jnp.float32)
    edge_index = jax.random.randint(k2, (2, E), 0, N, dtype=jnp.int32)
    W1 = jax.random.normal(k3, (D_IN, D_HID), dtype=jnp.float32) * np.sqrt(2.0 / (D_IN + D_HID))
    b1 = jnp.zeros((D_HID,), dtype=jnp.float32)
    W2 = jax.random.normal(k4, (D_HID, D_OUT), dtype=jnp.float32) * np.sqrt(2.0 / (D_HID + D_OUT))
    b2 = jnp.zeros((D_OUT,), dtype=jnp.float32)
    return {"x": x, "edge_index": edge_index, "W1": W1, "b1": b1, "W2": W2, "b2": b2}


def reference(x, edge_index, W1, b1, W2, b2):
    # dgl.add_self_loop: append (i, i) for every node
    loop = jnp.arange(N, dtype=edge_index.dtype)
    src = jnp.concatenate([edge_index[0], loop])
    dst = jnp.concatenate([edge_index[1], loop])
    # DGL GraphConv with norm='both': h' = act( D_dst^{-1/2} A D_src^{-1/2} X W + b )
    deg_out = jnp.zeros((N,), jnp.float32).at[src].add(1.0)
    deg_in = jnp.zeros((N,), jnp.float32).at[dst].add(1.0)
    norm_src = jax.lax.rsqrt(jnp.maximum(deg_out, 1.0))
    norm_dst = jax.lax.rsqrt(jnp.maximum(deg_in, 1.0))

    def gcn_layer(h, W, b):
        h = h * norm_src[:, None]
        h = h @ W
        m = jnp.take(h, src, axis=0)
        agg = jnp.zeros((N, W.shape[1]), h.dtype).at[dst].add(m)
        agg = agg * norm_dst[:, None] + b
        return jax.nn.relu(agg)

    h = gcn_layer(x, W1, b1)
    h = gcn_layer(h, W2, b2)
    return h

if __name__ == "__main__":
    import jax
    _d = setup_inputs()
    print(jax.jit(kernel)(*tuple(_d.values())))

</pallas_src>

<mosaic_0001>
#map = affine_map<(d0, d1) -> (0)>
#map1 = affine_map<(d0, d1) -> (0, 0)>
#map2 = affine_map<(d0, d1) -> (0, 0, 0)>
module attributes {stable_mosaic.version = 14 : i64} {
  func.func @_agg_sc(%arg0: i32, %arg1: i32, %arg2: memref<323584xi32, #tpu.memory_space<hbm>>, %arg3: memref<323584xi32, #tpu.memory_space<hbm>>, %arg4: memref<10000x128xf32, #tpu.memory_space<hbm>>, %arg5: memref<2x10240x128xf32, #tpu.memory_space<hbm>>, %arg6: memref<128xi32, #tpu.memory_space<vmem>>, %arg7: memref<128xi32, #tpu.memory_space<vmem>>, %arg8: memref<128x128xf32, #tpu.memory_space<vmem>>, %arg9: memref<128x128xf32, #tpu.memory_space<vmem>>, %arg10: memref<10240x128xf32, #tpu.memory_space<vmem_shared>>, %arg11: memref<!tpu.dma_semaphore, #tpu.memory_space<semaphore_mem>>) attributes {dimension_semantics = [#tpu.dimension_semantics<core_parallel>, #tpu.dimension_semantics<subcore_parallel>], iteration_bounds = array<i64: 2, 16>, scalar_prefetch = 0 : i64, scratch_operands = 6 : i64, tpu.core_type = #tpu.core_type<sc_vector_subcore>, window_params = [{transform_indices = #map}, {transform_indices = #map}, {transform_indices = #map1}, {transform_indices = #map2}]} {
    %mul3A = arith.constant 16 : i32
    %mul3A_0 = arith.muli %arg0, %mul3A : i32
    %add3A = arith.addi %mul3A_0, %arg1 : i32
    %broadcast_in_dim3A = arith.constant 0.000000e+00 : f32
    %broadcast_in_dim3A_1 = vector.broadcast %broadcast_in_dim3A : f32 to vector<16xf32>
    %scan3A = arith.constant 0 : i32
    %scan3A_2 = arith.constant 0 : i32
    %scan3A_3 = arith.constant 1024 : i32
    %scan3A_4 = arith.addi %scan3A_2, %scan3A_3 : i32
    %scan3A_5 = arith.constant 1 : i32
    %scan3A_6 = scf.for %scan3A_28 = %scan3A_2 to %scan3A_4 step %scan3A_5 iter_args(%scan3A_29 = %scan3A) -> (i32)  : i32 {
      %jit3A = arith.constant 8 : i32
      %div3A = arith.divsi %scan3A_28, %jit3A : i32
      %sign3A = arith.constant 0 : i32
      %sign3A_30 = arith.cmpi sgt, %scan3A_28, %sign3A : i32
      %sign3A_31 = arith.extui %sign3A_30 : i1 to i32
      %sign3A_32 = arith.constant 0 : i32
      %sign3A_33 = arith.cmpi slt, %scan3A_28, %sign3A_32 : i32
      %sign3A_34 = arith.extui %sign3A_33 : i1 to i32
      %sign3A_35 = arith.subi %sign3A_31, %sign3A_34 : i32
      %sign3A_36 = arith.constant 0 : i32
      %sign3A_37 = arith.cmpi sgt, %jit3A, %sign3A_36 : i32
      %sign3A_38 = arith.extui %sign3A_37 : i1 to i32
      %sign3A_39 = arith.constant 0 : i32
      %sign3A_40 = arith.cmpi slt, %jit3A, %sign3A_39 : i32
      %sign3A_41 = arith.extui %sign3A_40 : i1 to i32
      %sign3A_42 = arith.subi %sign3A_38, %sign3A_41 : i32
      %ne3A = arith.cmpi ne, %sign3A_35, %sign3A_42 : i32
      %rem3A = arith.remsi %scan3A_28, %jit3A : i32
      %ne3A_43 = arith.constant 0 : i32
      %ne3A_44 = arith.cmpi ne, %rem3A, %ne3A_43 : i32
      %and3A = arith.andi %ne3A, %ne3A_44 : i1
      %sub3A = arith.constant 1 : i32
      %sub3A_45 = arith.subi %div3A, %sub3A : i32
      %select_n3A = arith.select %and3A, %sub3A_45, %div3A : i32
      %jit3A_46 = arith.constant 8 : i32
      %eq3A = arith.constant 0 : i32
      %eq3A_47 = arith.cmpi eq, %jit3A_46, %eq3A : i32
      %jit3A_48 = arith.constant 1 : i32
      %select_n3A_49 = arith.select %eq3A_47, %jit3A_48, %jit3A_46 : i32
      %rem3A_50 = arith.remsi %scan3A_28, %select_n3A_49 : i32
      %ne3A_51 = arith.constant 0 : i32
      %ne3A_52 = arith.cmpi ne, %rem3A_50, %ne3A_51 : i32
      %lt3A = arith.constant 0 : i32
      %lt3A_53 = arith.cmpi slt, %rem3A_50, %lt3A : i32
      %lt3A_54 = arith.constant 0 : i32
      %lt3A_55 = arith.cmpi slt, %select_n3A_49, %lt3A_54 : i32
      %ne3A_56 = arith.xori %lt3A_53, %lt3A_55 : i1
      %and3A_57 = arith.andi %ne3A_56, %ne3A_52 : i1
      %add3A_58 = arith.addi %rem3A_50, %select_n3A_49 : i32
      %select_n3A_59 = arith.select %and3A_57, %add3A_58, %rem3A_50 : i32
      %mul3A_60 = arith.constant 16 : i32
      %mul3A_61 = arith.muli %select_n3A_59, %mul3A_60 : i32
      %swap3A = arith.index_cast %select_n3A : i32 to index
      %swap3A_62 = arith.index_cast %mul3A_61 : i32 to index
      %swap3A_63 = tpu.vector_load %arg9[%swap3A, %swap3A_62] {strides = array<i32>} : memref<128x128xf32, #tpu.memory_space<vmem>>, vector<16xf32>,
      tpu.vector_store %arg9[%swap3A, %swap3A_62], %broadcast_in_dim3A_1 {strides = array<i32>} : memref<128x128xf32, #tpu.memory_space<vmem>>, vector<16xf32>,
      %scan3A_64 = arith.constant 0 : i32
      scf.yield %scan3A_64 : i32
    }
    %scan3A_7 = arith.constant 1024 : i32
    %mul3A_8 = arith.constant 640 : i32
    %mul3A_9 = arith.muli %arg1, %mul3A_8 : i32
    %add3A_10 = arith.constant 0 : i32
    %add3A_11 = arith.addi %mul3A_9, %add3A_10 : i32
    "tpu.region"() ({
      %run_scoped3A = tpu.sem_alloc : memref<!tpu.dma_semaphore, #tpu.memory_space<semaphore_mem>>
      %dma_start3A = arith.constant 0 : i32
      %dma_start3A_28 = tpu.memref_slice %arg10[%add3A_11, %dma_start3A] : memref<10240x128xf32, #tpu.memory_space<vmem_shared>> -> memref<128x128xf32, #tpu.memory_space<vmem_shared>>
      %dma_start3A_29 = arith.constant 0 : i32
      %dma_start3A_30 = tpu.memref_slice %arg10[%add3A_11, %dma_start3A_29] : memref<10240x128xf32, #tpu.memory_space<vmem_shared>> -> memref<128x128xf32, #tpu.memory_space<vmem_shared>>
      tpu.enqueue_dma source(%arg9 : memref<128x128xf32, #tpu.memory_space<vmem>>) target(%dma_start3A_30 : memref<128x128xf32, #tpu.memory_space<vmem_shared>>) target_semaphore(%run_scoped3A : memref<!tpu.dma_semaphore, #tpu.memory_space<semaphore_mem>>)
      %dma_wait3A = arith.constant 0 : i32
      %dma_wait3A_31 = tpu.memref_slice %arg10[%add3A_11, %dma_wait3A] : memref<10240x128xf32, #tpu.memory_space<vmem_shared>> -> memref<128x128xf32, #tpu.memory_space<vmem_shared>>
      %dma_wait3A_32 = arith.constant 0 : i32
      %dma_wait3A_33 = tpu.memref_slice %arg10[%add3A_11, %dma_wait3A_32] : memref<10240x128xf32, #tpu.memory_space<vmem_shared>> -> memref<128x128xf32, #tpu.memory_space<vmem_shared>>
      tpu.wait_dma2 semaphore(%run_scoped3A : memref<!tpu.dma_semaphore, #tpu.memory_space<semaphore_mem>>) src(%arg9 : memref<128x128xf32, #tpu.memory_space<vmem>>) dst(%dma_wait3A_33 : memref<128x128xf32, #tpu.memory_space<vmem_shared>>)
      tpu.yield
    }) : () -> ()
    %add3A_12 = arith.constant 128 : i32
    %add3A_13 = arith.addi %mul3A_9, %add3A_12 : i32
    "tpu.region"() ({
      %run_scoped3A = tpu.sem_alloc : memref<!tpu.dma_semaphore, #tpu.memory_space<semaphore_mem>>
      %dma_start3A = arith.constant 0 : i32
      %dma_start3A_28 = tpu.memref_slice %arg10[%add3A_13, %dma_start3A] : memref<10240x128xf32, #tpu.memory_space<vmem_shared>> -> memref<128x128xf32, #tpu.memory_space<vmem_shared>>
      %dma_start3A_29 = arith.constant 0 : i32
      %dma_start3A_30 = tpu.memref_slice %arg10[%add3A_13, %dma_start3A_29] : memref<10240x128xf32, #tpu.memory_space<vmem_shared>> -> memref<128x128xf32, #tpu.memory_space<vmem_shared>>
      tpu.enqueue_dma source(%arg9 : memref<128x128xf32, #tpu.memory_space<vmem>>) target(%dma_start3A_30 : memref<128x128xf32, #tpu.memory_space<vmem_shared>>) target_semaphore(%run_scoped3A : memref<!tpu.dma_semaphore, #tpu.memory_space<semaphore_mem>>)
      %dma_wait3A = arith.constant 0 : i32
      %dma_wait3A_31 = tpu.memref_slice %arg10[%add3A_13, %dma_wait3A] : memref<10240x128xf32, #tpu.memory_space<vmem_shared>> -> memref<128x128xf32, #tpu.memory_space<vmem_shared>>
      %dma_wait3A_32 = arith.constant 0 : i32
      %dma_wait3A_33 = tpu.memref_slice %arg10[%add3A_13, %dma_wait3A_32] : memref<10240x128xf32, #tpu.memory_space<vmem_shared>> -> memref<128x128xf32, #tpu.memory_space<vmem_shared>>
      tpu.wait_dma2 semaphore(%run_scoped3A : memref<!tpu.dma_semaphore, #tpu.memory_space<semaphore_mem>>) src(%arg9 : memref<128x128xf32, #tpu.memory_space<vmem>>) dst(%dma_wait3A_33 : memref<128x128xf32, #tpu.memory_space<vmem_shared>>)
      tpu.yield
    }) : () -> ()
    %add3A_14 = arith.constant 256 : i32
    %add3A_15 = arith.addi %mul3A_9, %add3A_14 : i32
    "tpu.region"() ({
      %run_scoped3A = tpu.sem_alloc : memref<!tpu.dma_semaphore, #tpu.memory_space<semaphore_mem>>
      %dma_start3A = arith.constant 0 : i32
      %dma_start3A_28 = tpu.memref_slice %arg10[%add3A_15, %dma_start3A] : memref<10240x128xf32, #tpu.memory_space<vmem_shared>> -> memref<128x128xf32, #tpu.memory_space<vmem_shared>>
      %dma_start3A_29 = arith.constant 0 : i32
      %dma_start3A_30 = tpu.memref_slice %arg10[%add3A_15, %dma_start3A_29] : memref<10240x128xf32, #tpu.memory_space<vmem_shared>> -> memref<128x128xf32, #tpu.memory_space<vmem_shared>>
      tpu.enqueue_dma source(%arg9 : memref<128x128xf32, #tpu.memory_space<vmem>>) target(%dma_start3A_30 : memref<128x128xf32, #tpu.memory_space<vmem_shared>>) target_semaphore(%run_scoped3A : memref<!tpu.dma_semaphore, #tpu.memory_space<semaphore_mem>>)
      %dma_wait3A = arith.constant 0 : i32
      %dma_wait3A_31 = tpu.memref_slice %arg10[%add3A_15, %dma_wait3A] : memref<10240x128xf32, #tpu.memory_space<vmem_shared>> -> memref<128x128xf32, #tpu.memory_space<vmem_shared>>
      %dma_wait3A_32 = arith.constant 0 : i32
      %dma_wait3A_33 = tpu.memref_slice %arg10[%add3A_15, %dma_wait3A_32] : memref<10240x128xf32, #tpu.memory_space<vmem_shared>> -> memref<128x128xf32, #tpu.memory_space<vmem_shared>>
      tpu.wait_dma2 semaphore(%run_scoped3A : memref<!tpu.dma_semaphore, #tpu.memory_space<semaphore_mem>>) src(%arg9 : memref<128x128xf32, #tpu.memory_space<vmem>>) dst(%dma_wait3A_33 : memref<128x128xf32, #tpu.memory_space<vmem_shared>>)
      tpu.yield
    }) : () -> ()
    %add3A_16 = arith.constant 384 : i32
    %add3A_17 = arith.addi %mul3A_9, %add3A_16 : i32
    "tpu.region"() ({
      %run_scoped3A = tpu.sem_alloc : memref<!tpu.dma_semaphore, #tpu.memory_space<semaphore_mem>>
      %dma_start3A = arith.constant 0 : i32
      %dma_start3A_28 = tpu.memref_slice %arg10[%add3A_17, %dma_start3A] : memref<10240x128xf32, #tpu.memory_space<vmem_shared>> -> memref<128x128xf32, #tpu.memory_space<vmem_shared>>
      %dma_start3A_29 = arith.constant 0 : i32
      %dma_start3A_30 = tpu.memref_slice %arg10[%add3A_17, %dma_start3A_29] : memref<10240x128xf32, #tpu.memory_space<vmem_shared>> -> memref<128x128xf32, #tpu.memory_space<vmem_shared>>
      tpu.enqueue_dma source(%arg9 : memref<128x128xf32, #tpu.memory_space<vmem>>) target(%dma_start3A_30 : memref<128x128xf32, #tpu.memory_space<vmem_shared>>) target_semaphore(%run_scoped3A : memref<!tpu.dma_semaphore, #tpu.memory_space<semaphore_mem>>)
      %dma_wait3A = arith.constant 0 : i32
      %dma_wait3A_31 = tpu.memref_slice %arg10[%add3A_17, %dma_wait3A] : memref<10240x128xf32, #tpu.memory_space<vmem_shared>> -> memref<128x128xf32, #tpu.memory_space<vmem_shared>>
      %dma_wait3A_32 = arith.constant 0 : i32
      %dma_wait3A_33 = tpu.memref_slice %arg10[%add3A_17, %dma_wait3A_32] : memref<10240x128xf32, #tpu.memory_space<vmem_shared>> -> memref<128x128xf32, #tpu.memory_space<vmem_shared>>
      tpu.wait_dma2 semaphore(%run_scoped3A : memref<!tpu.dma_semaphore, #tpu.memory_space<semaphore_mem>>) src(%arg9 : memref<128x128xf32, #tpu.memory_space<vmem>>) dst(%dma_wait3A_33 : memref<128x128xf32, #tpu.memory_space<vmem_shared>>)
      tpu.yield
    }) : () -> ()
    %add3A_18 = arith.constant 512 : i32
    %add3A_19 = arith.addi %mul3A_9, %add3A_18 : i32
    "tpu.region"() ({
      %run_scoped3A = tpu.sem_alloc : memref<!tpu.dma_semaphore, #tpu.memory_space<semaphore_mem>>
      %dma_start3A = arith.constant 0 : i32
      %dma_start3A_28 = tpu.memref_slice %arg10[%add3A_19, %dma_start3A] : memref<10240x128xf32, #tpu.memory_space<vmem_shared>> -> memref<128x128xf32, #tpu.memory_space<vmem_shared>>
      %dma_start3A_29 = arith.constant 0 : i32
      %dma_start3A_30 = tpu.memref_slice %arg10[%add3A_19, %dma_start3A_29] : memref<10240x128xf32, #tpu.memory_space<vmem_shared>> -> memref<128x128xf32, #tpu.memory_space<vmem_shared>>
      tpu.enqueue_dma source(%arg9 : memref<128x128xf32, #tpu.memory_space<vmem>>) target(%dma_start3A_30 : memref<128x128xf32, #tpu.memory_space<vmem_shared>>) target_semaphore(%run_scoped3A : memref<!tpu.dma_semaphore, #tpu.memory_space<semaphore_mem>>)
      %dma_wait3A = arith.constant 0 : i32
      %dma_wait3A_31 = tpu.memref_slice %arg10[%add3A_19, %dma_wait3A] : memref<10240x128xf32, #tpu.memory_space<vmem_shared>> -> memref<128x128xf32, #tpu.memory_space<vmem_shared>>
      %dma_wait3A_32 = arith.constant 0 : i32
      %dma_wait3A_33 = tpu.memref_slice %arg10[%add3A_19, %dma_wait3A_32] : memref<10240x128xf32, #tpu.memory_space<vmem_shared>> -> memref<128x128xf32, #tpu.memory_space<vmem_shared>>
      tpu.wait_dma2 semaphore(%run_scoped3A : memref<!tpu.dma_semaphore, #tpu.memory_space<semaphore_mem>>) src(%arg9 : memref<128x128xf32, #tpu.memory_space<vmem>>) dst(%dma_wait3A_33 : memref<128x128xf32, #tpu.memory_space<vmem_shared>>)
      tpu.yield
    }) : () -> ()
    %barrier3A = arith.constant 0 : index
    tpu.barrier barrier_id(%barrier3A)
    %scan3A_20 = arith.constant 0 : i32
    %scan3A_21 = arith.constant 0 : i32
    %scan3A_22 = arith.constant 79 : i32
    %scan3A_23 = arith.addi %scan3A_21, %scan3A_22 : i32
    %scan3A_24 = arith.constant 1 : i32
    %scan3A_25 = scf.for %scan3A_28 = %scan3A_21 to %scan3A_23 step %scan3A_24 iter_args(%scan3A_29 = %scan3A_20) -> (i32)  : i32 {
      %mul3A_30 = arith.constant 10112 : i32
      %mul3A_31 = arith.muli %add3A, %mul3A_30 : i32
      %mul3A_32 = arith.constant 128 : i32
      %mul3A_33 = arith.muli %scan3A_28, %mul3A_32 : i32
      %add3A_34 = arith.addi %mul3A_31, %mul3A_33 : i32
      %multiple_of3A = tpu.assume_multiple %add3A_34, 8 : i32
      "tpu.region"() ({
        %run_scoped3A = tpu.sem_alloc : memref<!tpu.dma_semaphore, #tpu.memory_space<semaphore_mem>>
        %dma_start3A_40 = tpu.memref_slice %arg2[%multiple_of3A] : memref<323584xi32, #tpu.memory_space<hbm>> -> memref<128xi32, #tpu.memory_space<hbm>>
        %dma_start3A_41 = tpu.memref_slice %arg2[%multiple_of3A] : memref<323584xi32, #tpu.memory_space<hbm>> -> memref<128xi32, #tpu.memory_space<hbm>>
        tpu.enqueue_dma source(%dma_start3A_41 : memref<128xi32, #tpu.memory_space<hbm>>) target(%arg6 : memref<128xi32, #tpu.memory_space<vmem>>) target_semaphore(%run_scoped3A : memref<!tpu.dma_semaphore, #tpu.memory_space<semaphore_mem>>)
        %dma_wait3A_42 = tpu.memref_slice %arg2[%multiple_of3A] : memref<323584xi32, #tpu.memory_space<hbm>> -> memref<128xi32, #tpu.memory_space<hbm>>
        %dma_wait3A_43 = tpu.memref_slice %arg2[%multiple_of3A] : memref<323584xi32, #tpu.memory_space<hbm>> -> memref<128xi32, #tpu.memory_space<hbm>>
        tpu.wait_dma2 semaphore(%run_scoped3A : memref<!tpu.dma_semaphore, #tpu.memory_space<semaphore_mem>>) src(%dma_wait3A_43 : memref<128xi32, #tpu.memory_space<hbm>>) dst(%arg6 : memref<128xi32, #tpu.memory_space<vmem>>)
        tpu.yield
      }) : () -> ()
      "tpu.region"() ({
        %run_scoped3A = tpu.sem_alloc : memref<!tpu.dma_semaphore, #tpu.memory_space<semaphore_mem>>
        %dma_start3A_40 = tpu.memref_slice %arg3[%multiple_of3A] : memref<323584xi32, #tpu.memory_space<hbm>> -> memref<128xi32, #tpu.memory_space<hbm>>
        %dma_start3A_41 = tpu.memref_slice %arg3[%multiple_of3A] : memref<323584xi32, #tpu.memory_space<hbm>> -> memref<128xi32, #tpu.memory_space<hbm>>
        tpu.enqueue_dma source(%dma_start3A_41 : memref<128xi32, #tpu.memory_space<hbm>>) target(%arg7 : memref<128xi32, #tpu.memory_space<vmem>>) target_semaphore(%run_scoped3A : memref<!tpu.dma_semaphore, #tpu.memory_space<semaphore_mem>>)
        %dma_wait3A_42 = tpu.memref_slice %arg3[%multiple_of3A] : memref<323584xi32, #tpu.memory_space<hbm>> -> memref<128xi32, #tpu.memory_space<hbm>>
        %dma_wait3A_43 = tpu.memref_slice %arg3[%multiple_of3A] : memref<323584xi32, #tpu.memory_space<hbm>> -> memref<128xi32, #tpu.memory_space<hbm>>
        tpu.wait_dma2 semaphore(%run_scoped3A : memref<!tpu.dma_semaphore, #tpu.memory_space<semaphore_mem>>) src(%dma_wait3A_43 : memref<128xi32, #tpu.memory_space<hbm>>) dst(%arg7 : memref<128xi32, #tpu.memory_space<vmem>>)
        tpu.yield
      }) : () -> ()
      %dma_start3A = arith.constant 0 : i32
      %dma_start3A_35 = arith.constant 0 : i32
      %dma_start3A_36 = tpu.memref_slice %arg4[%dma_start3A, %dma_start3A_35] : memref<10000x128xf32, #tpu.memory_space<hbm>> -> memref<10000x128xf32, #tpu.memory_space<hbm>>
      tpu.enqueue_indirect_dma source(%dma_start3A_36 : memref<10000x128xf32, #tpu.memory_space<hbm>>) target(%arg8 : memref<128x128xf32, #tpu.memory_space<vmem>>) offsets(%arg6 : memref<128xi32, #tpu.memory_space<vmem>>) semaphore(%arg11 : memref<!tpu.dma_semaphore, #tpu.memory_space<semaphore_mem>>)
      %dma_wait3A = arith.constant 0 : i32
      %dma_wait3A_37 = arith.constant 0 : i32
      %dma_wait3A_38 = tpu.memref_slice %arg4[%dma_wait3A, %dma_wait3A_37] : memref<10000x128xf32, #tpu.memory_space<hbm>> -> memref<10000x128xf32, #tpu.memory_space<hbm>>
      tpu.wait_indirect_dma semaphore(%arg11 : memref<!tpu.dma_semaphore, #tpu.memory_space<semaphore_mem>>) src(%dma_wait3A_38 : memref<10000x128xf32, #tpu.memory_space<hbm>>) dst(%arg8 : memref<128x128xf32, #tpu.memory_space<vmem>>)
      "tpu.region"() ({
        %run_scoped3A = tpu.sem_alloc : memref<!tpu.dma_semaphore, #tpu.memory_space<semaphore_mem>>
        %dma_start3A_40 = arith.constant 0 : i32
        %dma_start3A_41 = arith.constant 0 : i32
        %dma_start3A_42 = tpu.memref_slice %arg10[%dma_start3A_40, %dma_start3A_41] : memref<10240x128xf32, #tpu.memory_space<vmem_shared>> -> memref<10240x128xf32, #tpu.memory_space<vmem_shared>>
        tpu.enqueue_indirect_dma source(%arg8 : memref<128x128xf32, #tpu.memory_space<vmem>>) target(%dma_start3A_42 : memref<10240x128xf32, #tpu.memory_space<vmem_shared>>) offsets(%arg7 : memref<128xi32, #tpu.memory_space<vmem>>) semaphore(%run_scoped3A : memref<!tpu.dma_semaphore, #tpu.memory_space<semaphore_mem>>) {add = true}
        %dma_wait3A_43 = arith.constant 0 : i32
        %dma_wait3A_44 = arith.constant 0 : i32
        %dma_wait3A_45 = tpu.memref_slice %arg10[%dma_wait3A_43, %dma_wait3A_44] : memref<10240x128xf32, #tpu.memory_space<vmem_shared>> -> memref<10240x128xf32, #tpu.memory_space<vmem_shared>>
        tpu.wait_indirect_dma semaphore(%run_scoped3A : memref<!tpu.dma_semaphore, #tpu.memory_space<semaphore_mem>>) src(%arg8 : memref<128x128xf32, #tpu.memory_space<vmem>>) dst(%dma_wait3A_45 : memref<10240x128xf32, #tpu.memory_space<vmem_shared>>)
        tpu.yield
      }) : () -> ()
      %scan3A_39 = arith.constant 0 : i32
      scf.yield %scan3A_39 : i32
    }
    %scan3A_26 = arith.constant 79 : i32
    %barrier3A_27 = arith.constant 0 : index
    tpu.barrier barrier_id(%barrier3A_27)
    "tpu.region"() ({
      %run_scoped3A = tpu.sem_alloc : memref<!tpu.dma_semaphore, #tpu.memory_space<semaphore_mem>>
      %dma_start3A = arith.constant 0 : i32
      %dma_start3A_28 = tpu.memref_slice %arg5[%arg0, %mul3A_9, %dma_start3A] : memref<2x10240x128xf32, #tpu.memory_space<hbm>> -> memref<1x640x128xf32, #tpu.memory_space<hbm>>
      %dma_start3A_29 = tpu.memref_squeeze %dma_start3A_28 : memref<1x640x128xf32, #tpu.memory_space<hbm>> -> memref<640x128xf32, #tpu.memory_space<hbm>>
      %dma_start3A_30 = arith.constant 0 : i32
      %dma_start3A_31 = tpu.memref_slice %arg10[%mul3A_9, %dma_start3A_30] : memref<10240x128xf32, #tpu.memory_space<vmem_shared>> -> memref<640x128xf32, #tpu.memory_space<vmem_shared>>
      tpu.enqueue_dma source(%dma_start3A_31 : memref<640x128xf32, #tpu.memory_space<vmem_shared>>) target(%dma_start3A_29 : memref<640x128xf32, #tpu.memory_space<hbm>>) target_semaphore(%run_scoped3A : memref<!tpu.dma_semaphore, #tpu.memory_space<semaphore_mem>>)
      %dma_wait3A = arith.constant 0 : i32
      %dma_wait3A_32 = tpu.memref_slice %arg5[%arg0, %mul3A_9, %dma_wait3A] : memref<2x10240x128xf32, #tpu.memory_space<hbm>> -> memref<1x640x128xf32, #tpu.memory_space<hbm>>
      %dma_wait3A_33 = tpu.memref_squeeze %dma_wait3A_32 : memref<1x640x128xf32, #tpu.memory_space<hbm>> -> memref<640x128xf32, #tpu.memory_space<hbm>>
      %dma_wait3A_34 = arith.constant 0 : i32
      %dma_wait3A_35 = tpu.memref_slice %arg10[%mul3A_9, %dma_wait3A_34] : memref<10240x128xf32, #tpu.memory_space<vmem_shared>> -> memref<640x128xf32, #tpu.memory_space<vmem_shared>>
      tpu.wait_dma2 semaphore(%run_scoped3A : memref<!tpu.dma_semaphore, #tpu.memory_space<semaphore_mem>>) src(%dma_wait3A_35 : memref<640x128xf32, #tpu.memory_space<vmem_shared>>) dst(%dma_wait3A_33 : memref<640x128xf32, #tpu.memory_space<hbm>>)
      tpu.yield
    }) : () -> ()
    return
  }
}

#map = affine_map<(d0, d1) -> (0)>
#map1 = affine_map<(d0, d1) -> (0, 0)>
#map2 = affine_map<(d0, d1) -> (0, 0, 0)>
module attributes {stable_mosaic.version = 14 : i64} {
  func.func @_agg_sc(%arg0: i32, %arg1: i32, %arg2: memref<323584xi32, #tpu.memory_space<hbm>>, %arg3: memref<323584xi32, #tpu.memory_space<hbm>>, %arg4: memref<10000x128xf32, #tpu.memory_space<hbm>>, %arg5: memref<2x10240x128xf32, #tpu.memory_space<hbm>>, %arg6: memref<128xi32, #tpu.memory_space<vmem>>, %arg7: memref<128xi32, #tpu.memory_space<vmem>>, %arg8: memref<128x128xf32, #tpu.memory_space<vmem>>, %arg9: memref<128x128xf32, #tpu.memory_space<vmem>>, %arg10: memref<10240x128xf32, #tpu.memory_space<vmem_shared>>, %arg11: memref<!tpu.dma_semaphore, #tpu.memory_space<semaphore_mem>>) attributes {dimension_semantics = [#tpu.dimension_semantics<core_parallel>, #tpu.dimension_semantics<subcore_parallel>], iteration_bounds = array<i64: 2, 16>, scalar_prefetch = 0 : i64, scratch_operands = 6 : i64, tpu.core_type = #tpu.core_type<sc_vector_subcore>, window_params = [{transform_indices = #map}, {transform_indices = #map}, {transform_indices = #map1}, {transform_indices = #map2}]} {
    %mul3A = arith.constant 16 : i32
    %mul3A_0 = arith.muli %arg0, %mul3A : i32
    %add3A = arith.addi %mul3A_0, %arg1 : i32
    %broadcast_in_dim3A = arith.constant 0.000000e+00 : f32
    %broadcast_in_dim3A_1 = vector.broadcast %broadcast_in_dim3A : f32 to vector<16xf32>
    %scan3A = arith.constant 0 : i32
    %scan3A_2 = arith.constant 0 : i32
    %scan3A_3 = arith.constant 1024 : i32
    %scan3A_4 = arith.addi %scan3A_2, %scan3A_3 : i32
    %scan3A_5 = arith.constant 1 : i32
    %scan3A_6 = scf.for %scan3A_28 = %scan3A_2 to %scan3A_4 step %scan3A_5 iter_args(%scan3A_29 = %scan3A) -> (i32)  : i32 {
      %jit3A = arith.constant 8 : i32
      %div3A = arith.divsi %scan3A_28, %jit3A : i32
      %sign3A = arith.constant 0 : i32
      %sign3A_30 = arith.cmpi sgt, %scan3A_28, %sign3A : i32
      %sign3A_31 = arith.extui %sign3A_30 : i1 to i32
      %sign3A_32 = arith.constant 0 : i32
      %sign3A_33 = arith.cmpi slt, %scan3A_28, %sign3A_32 : i32
      %sign3A_34 = arith.extui %sign3A_33 : i1 to i32
      %sign3A_35 = arith.subi %sign3A_31, %sign3A_34 : i32
      %sign3A_36 = arith.constant 0 : i32
      %sign3A_37 = arith.cmpi sgt, %jit3A, %sign3A_36 : i32
      %sign3A_38 = arith.extui %sign3A_37 : i1 to i32
      %sign3A_39 = arith.constant 0 : i32
      %sign3A_40 = arith.cmpi slt, %jit3A, %sign3A_39 : i32
      %sign3A_41 = arith.extui %sign3A_40 : i1 to i32
      %sign3A_42 = arith.subi %sign3A_38, %sign3A_41 : i32
      %ne3A = arith.cmpi ne, %sign3A_35, %sign3A_42 : i32
      %rem3A = arith.remsi %scan3A_28, %jit3A : i32
      %ne3A_43 = arith.constant 0 : i32
      %ne3A_44 = arith.cmpi ne, %rem3A, %ne3A_43 : i32
      %and3A = arith.andi %ne3A, %ne3A_44 : i1
      %sub3A = arith.constant 1 : i32
      %sub3A_45 = arith.subi %div3A, %sub3A : i32
      %select_n3A = arith.select %and3A, %sub3A_45, %div3A : i32
      %jit3A_46 = arith.constant 8 : i32
      %eq3A = arith.constant 0 : i32
      %eq3A_47 = arith.cmpi eq, %jit3A_46, %eq3A : i32
      %jit3A_48 = arith.constant 1 : i32
      %select_n3A_49 = arith.select %eq3A_47, %jit3A_48, %jit3A_46 : i32
      %rem3A_50 = arith.remsi %scan3A_28, %select_n3A_49 : i32
      %ne3A_51 = arith.constant 0 : i32
      %ne3A_52 = arith.cmpi ne, %rem3A_50, %ne3A_51 : i32
      %lt3A = arith.constant 0 : i32
      %lt3A_53 = arith.cmpi slt, %rem3A_50, %lt3A : i32
      %lt3A_54 = arith.constant 0 : i32
      %lt3A_55 = arith.cmpi slt, %select_n3A_49, %lt3A_54 : i32
      %ne3A_56 = arith.xori %lt3A_53, %lt3A_55 : i1
      %and3A_57 = arith.andi %ne3A_56, %ne3A_52 : i1
      %add3A_58 = arith.addi %rem3A_50, %select_n3A_49 : i32
      %select_n3A_59 = arith.select %and3A_57, %add3A_58, %rem3A_50 : i32
      %mul3A_60 = arith.constant 16 : i32
      %mul3A_61 = arith.muli %select_n3A_59, %mul3A_60 : i32
      %swap3A = arith.index_cast %select_n3A : i32 to index
      %swap3A_62 = arith.index_cast %mul3A_61 : i32 to index
      %swap3A_63 = tpu.vector_load %arg9[%swap3A, %swap3A_62] {strides = array<i32>} : memref<128x128xf32, #tpu.memory_space<vmem>>, vector<16xf32>,
      tpu.vector_store %arg9[%swap3A, %swap3A_62], %broadcast_in_dim3A_1 {strides = array<i32>} : memref<128x128xf32, #tpu.memory_space<vmem>>, vector<16xf32>,
      %scan3A_64 = arith.constant 0 : i32
      scf.yield %scan3A_64 : i32
    }
    %scan3A_7 = arith.constant 1024 : i32
    %mul3A_8 = arith.constant 640 : i32
    %mul3A_9 = arith.muli %arg1, %mul3A_8 : i32
    %add3A_10 = arith.constant 0 : i32
    %add3A_11 = arith.addi %mul3A_9, %add3A_10 : i32
    "tpu.region"() ({
      %run_scoped3A = tpu.sem_alloc : memref<!tpu.dma_semaphore, #tpu.memory_space<semaphore_mem>>
      %dma_start3A = arith.constant 0 : i32
      %dma_start3A_28 = tpu.memref_slice %arg10[%add3A_11, %dma_start3A] : memref<10240x128xf32, #tpu.memory_space<vmem_shared>> -> memref<128x128xf32, #tpu.memory_space<vmem_shared>>
      %dma_start3A_29 = arith.constant 0 : i32
      %dma_start3A_30 = tpu.memref_slice %arg10[%add3A_11, %dma_start3A_29] : memref<10240x128xf32, #tpu.memory_space<vmem_shared>> -> memref<128x128xf32, #tpu.memory_space<vmem_shared>>
      tpu.enqueue_dma source(%arg9 : memref<128x128xf32, #tpu.memory_space<vmem>>) target(%dma_start3A_30 : memref<128x128xf32, #tpu.memory_space<vmem_shared>>) target_semaphore(%run_scoped3A : memref<!tpu.dma_semaphore, #tpu.memory_space<semaphore_mem>>)
      %dma_wait3A = arith.constant 0 : i32
      %dma_wait3A_31 = tpu.memref_slice %arg10[%add3A_11, %dma_wait3A] : memref<10240x128xf32, #tpu.memory_space<vmem_shared>> -> memref<128x128xf32, #tpu.memory_space<vmem_shared>>
      %dma_wait3A_32 = arith.constant 0 : i32
      %dma_wait3A_33 = tpu.memref_slice %arg10[%add3A_11, %dma_wait3A_32] : memref<10240x128xf32, #tpu.memory_space<vmem_shared>> -> memref<128x128xf32, #tpu.memory_space<vmem_shared>>
      tpu.wait_dma2 semaphore(%run_scoped3A : memref<!tpu.dma_semaphore, #tpu.memory_space<semaphore_mem>>) src(%arg9 : memref<128x128xf32, #tpu.memory_space<vmem>>) dst(%dma_wait3A_33 : memref<128x128xf32, #tpu.memory_space<vmem_shared>>)
      tpu.yield
    }) : () -> ()
    %add3A_12 = arith.constant 128 : i32
    %add3A_13 = arith.addi %mul3A_9, %add3A_12 : i32
    "tpu.region"() ({
      %run_scoped3A = tpu.sem_alloc : memref<!tpu.dma_semaphore, #tpu.memory_space<semaphore_mem>>
      %dma_start3A = arith.constant 0 : i32
      %dma_start3A_28 = tpu.memref_slice %arg10[%add3A_13, %dma_start3A] : memref<10240x128xf32, #tpu.memory_space<vmem_shared>> -> memref<128x128xf32, #tpu.memory_space<vmem_shared>>
      %dma_start3A_29 = arith.constant 0 : i32
      %dma_start3A_30 = tpu.memref_slice %arg10[%add3A_13, %dma_start3A_29] : memref<10240x128xf32, #tpu.memory_space<vmem_shared>> -> memref<128x128xf32, #tpu.memory_space<vmem_shared>>
      tpu.enqueue_dma source(%arg9 : memref<128x128xf32, #tpu.memory_space<vmem>>) target(%dma_start3A_30 : memref<128x128xf32, #tpu.memory_space<vmem_shared>>) target_semaphore(%run_scoped3A : memref<!tpu.dma_semaphore, #tpu.memory_space<semaphore_mem>>)
      %dma_wait3A = arith.constant 0 : i32
      %dma_wait3A_31 = tpu.memref_slice %arg10[%add3A_13, %dma_wait3A] : memref<10240x128xf32, #tpu.memory_space<vmem_shared>> -> memref<128x128xf32, #tpu.memory_space<vmem_shared>>
      %dma_wait3A_32 = arith.constant 0 : i32
      %dma_wait3A_33 = tpu.memref_slice %arg10[%add3A_13, %dma_wait3A_32] : memref<10240x128xf32, #tpu.memory_space<vmem_shared>> -> memref<128x128xf32, #tpu.memory_space<vmem_shared>>
      tpu.wait_dma2 semaphore(%run_scoped3A : memref<!tpu.dma_semaphore, #tpu.memory_space<semaphore_mem>>) src(%arg9 : memref<128x128xf32, #tpu.memory_space<vmem>>) dst(%dma_wait3A_33 : memref<128x128xf32, #tpu.memory_space<vmem_shared>>)
      tpu.yield
    }) : () -> ()
    %add3A_14 = arith.constant 256 : i32
    %add3A_15 = arith.addi %mul3A_9, %add3A_14 : i32
    "tpu.region"() ({
      %run_scoped3A = tpu.sem_alloc : memref<!tpu.dma_semaphore, #tpu.memory_space<semaphore_mem>>
      %dma_start3A = arith.constant 0 : i32
      %dma_start3A_28 = tpu.memref_slice %arg10[%add3A_15, %dma_start3A] : memref<10240x128xf32, #tpu.memory_space<vmem_shared>> -> memref<128x128xf32, #tpu.memory_space<vmem_shared>>
      %dma_start3A_29 = arith.constant 0 : i32
      %dma_start3A_30 = tpu.memref_slice %arg10[%add3A_15, %dma_start3A_29] : memref<10240x128xf32, #tpu.memory_space<vmem_shared>> -> memref<128x128xf32, #tpu.memory_space<vmem_shared>>
      tpu.enqueue_dma source(%arg9 : memref<128x128xf32, #tpu.memory_space<vmem>>) target(%dma_start3A_30 : memref<128x128xf32, #tpu.memory_space<vmem_shared>>) target_semaphore(%run_scoped3A : memref<!tpu.dma_semaphore, #tpu.memory_space<semaphore_mem>>)
      %dma_wait3A = arith.constant 0 : i32
      %dma_wait3A_31 = tpu.memref_slice %arg10[%add3A_15, %dma_wait3A] : memref<10240x128xf32, #tpu.memory_space<vmem_shared>> -> memref<128x128xf32, #tpu.memory_space<vmem_shared>>
      %dma_wait3A_32 = arith.constant 0 : i32
      %dma_wait3A_33 = tpu.memref_slice %arg10[%add3A_15, %dma_wait3A_32] : memref<10240x128xf32, #tpu.memory_space<vmem_shared>> -> memref<128x128xf32, #tpu.memory_space<vmem_shared>>
      tpu.wait_dma2 semaphore(%run_scoped3A : memref<!tpu.dma_semaphore, #tpu.memory_space<semaphore_mem>>) src(%arg9 : memref<128x128xf32, #tpu.memory_space<vmem>>) dst(%dma_wait3A_33 : memref<128x128xf32, #tpu.memory_space<vmem_shared>>)
      tpu.yield
    }) : () -> ()
    %add3A_16 = arith.constant 384 : i32
    %add3A_17 = arith.addi %mul3A_9, %add3A_16 : i32
    "tpu.region"() ({
      %run_scoped3A = tpu.sem_alloc : memref<!tpu.dma_semaphore, #tpu.memory_space<semaphore_mem>>
      %dma_start3A = arith.constant 0 : i32
      %dma_start3A_28 = tpu.memref_slice %arg10[%add3A_17, %dma_start3A] : memref<10240x128xf32, #tpu.memory_space<vmem_shared>> -> memref<128x128xf32, #tpu.memory_space<vmem_shared>>
      %dma_start3A_29 = arith.constant 0 : i32
      %dma_start3A_30 = tpu.memref_slice %arg10[%add3A_17, %dma_start3A_29] : memref<10240x128xf32, #tpu.memory_space<vmem_shared>> -> memref<128x128xf32, #tpu.memory_space<vmem_shared>>
      tpu.enqueue_dma source(%arg9 : memref<128x128xf32, #tpu.memory_space<vmem>>) target(%dma_start3A_30 : memref<128x128xf32, #tpu.memory_space<vmem_shared>>) target_semaphore(%run_scoped3A : memref<!tpu.dma_semaphore, #tpu.memory_space<semaphore_mem>>)
      %dma_wait3A = arith.constant 0 : i32
      %dma_wait3A_31 = tpu.memref_slice %arg10[%add3A_17, %dma_wait3A] : memref<10240x128xf32, #tpu.memory_space<vmem_shared>> -> memref<128x128xf32, #tpu.memory_space<vmem_shared>>
      %dma_wait3A_32 = arith.constant 0 : i32
      %dma_wait3A_33 = tpu.memref_slice %arg10[%add3A_17, %dma_wait3A_32] : memref<10240x128xf32, #tpu.memory_space<vmem_shared>> -> memref<128x128xf32, #tpu.memory_space<vmem_shared>>
      tpu.wait_dma2 semaphore(%run_scoped3A : memref<!tpu.dma_semaphore, #tpu.memory_space<semaphore_mem>>) src(%arg9 : memref<128x128xf32, #tpu.memory_space<vmem>>) dst(%dma_wait3A_33 : memref<128x128xf32, #tpu.memory_space<vmem_shared>>)
      tpu.yield
    }) : () -> ()
    %add3A_18 = arith.constant 512 : i32
    %add3A_19 = arith.addi %mul3A_9, %add3A_18 : i32
    "tpu.region"() ({
      %run_scoped3A = tpu.sem_alloc : memref<!tpu.dma_semaphore, #tpu.memory_space<semaphore_mem>>
      %dma_start3A = arith.constant 0 : i32
      %dma_start3A_28 = tpu.memref_slice %arg10[%add3A_19, %dma_start3A] : memref<10240x128xf32, #tpu.memory_space<vmem_shared>> -> memref<128x128xf32, #tpu.memory_space<vmem_shared>>
      %dma_start3A_29 = arith.constant 0 : i32
      %dma_start3A_30 = tpu.memref_slice %arg10[%add3A_19, %dma_start3A_29] : memref<10240x128xf32, #tpu.memory_space<vmem_shared>> -> memref<128x128xf32, #tpu.memory_space<vmem_shared>>
      tpu.enqueue_dma source(%arg9 : memref<128x128xf32, #tpu.memory_space<vmem>>) target(%dma_start3A_30 : memref<128x128xf32, #tpu.memory_space<vmem_shared>>) target_semaphore(%run_scoped3A : memref<!tpu.dma_semaphore, #tpu.memory_space<semaphore_mem>>)
      %dma_wait3A = arith.constant 0 : i32
      %dma_wait3A_31 = tpu.memref_slice %arg10[%add3A_19, %dma_wait3A] : memref<10240x128xf32, #tpu.memory_space<vmem_shared>> -> memref<128x128xf32, #tpu.memory_space<vmem_shared>>
      %dma_wait3A_32 = arith.constant 0 : i32
      %dma_wait3A_33 = tpu.memref_slice %arg10[%add3A_19, %dma_wait3A_32] : memref<10240x128xf32, #tpu.memory_space<vmem_shared>> -> memref<128x128xf32, #tpu.memory_space<vmem_shared>>
      tpu.wait_dma2 semaphore(%run_scoped3A : memref<!tpu.dma_semaphore, #tpu.memory_space<semaphore_mem>>) src(%arg9 : memref<128x128xf32, #tpu.memory_space<vmem>>) dst(%dma_wait3A_33 : memref<128x128xf32, #tpu.memory_space<vmem_shared>>)
      tpu.yield
    }) : () -> ()
    %barrier3A = arith.constant 0 : index
    tpu.barrier barrier_id(%barrier3A)
    %scan3A_20 = arith.constant 0 : i32
    %scan3A_21 = arith.constant 0 : i32
    %scan3A_22 = arith.constant 79 : i32
    %scan3A_23 = arith.addi %scan3A_21, %scan3A_22 : i32
    %scan3A_24 = arith.constant 1 : i32
    %scan3A_25 = scf.for %scan3A_28 = %scan3A_21 to %scan3A_23 step %scan3A_24 iter_args(%scan3A_29 = %scan3A_20) -> (i32)  : i32 {
      %mul3A_30 = arith.constant 10112 : i32
      %mul3A_31 = arith.muli %add3A, %mul3A_30 : i32
      %mul3A_32 = arith.constant 128 : i32
      %mul3A_33 = arith.muli %scan3A_28, %mul3A_32 : i32
      %add3A_34 = arith.addi %mul3A_31, %mul3A_33 : i32
      %multiple_of3A = tpu.assume_multiple %add3A_34, 8 : i32
      "tpu.region"() ({
        %run_scoped3A = tpu.sem_alloc : memref<!tpu.dma_semaphore, #tpu.memory_space<semaphore_mem>>
        %dma_start3A_40 = tpu.memref_slice %arg2[%multiple_of3A] : memref<323584xi32, #tpu.memory_space<hbm>> -> memref<128xi32, #tpu.memory_space<hbm>>
        %dma_start3A_41 = tpu.memref_slice %arg2[%multiple_of3A] : memref<323584xi32, #tpu.memory_space<hbm>> -> memref<128xi32, #tpu.memory_space<hbm>>
        tpu.enqueue_dma source(%dma_start3A_41 : memref<128xi32, #tpu.memory_space<hbm>>) target(%arg6 : memref<128xi32, #tpu.memory_space<vmem>>) target_semaphore(%run_scoped3A : memref<!tpu.dma_semaphore, #tpu.memory_space<semaphore_mem>>)
        %dma_wait3A_42 = tpu.memref_slice %arg2[%multiple_of3A] : memref<323584xi32, #tpu.memory_space<hbm>> -> memref<128xi32, #tpu.memory_space<hbm>>
        %dma_wait3A_43 = tpu.memref_slice %arg2[%multiple_of3A] : memref<323584xi32, #tpu.memory_space<hbm>> -> memref<128xi32, #tpu.memory_space<hbm>>
        tpu.wait_dma2 semaphore(%run_scoped3A : memref<!tpu.dma_semaphore, #tpu.memory_space<semaphore_mem>>) src(%dma_wait3A_43 : memref<128xi32, #tpu.memory_space<hbm>>) dst(%arg6 : memref<128xi32, #tpu.memory_space<vmem>>)
        tpu.yield
      }) : () -> ()
      "tpu.region"() ({
        %run_scoped3A = tpu.sem_alloc : memref<!tpu.dma_semaphore, #tpu.memory_space<semaphore_mem>>
        %dma_start3A_40 = tpu.memref_slice %arg3[%multiple_of3A] : memref<323584xi32, #tpu.memory_space<hbm>> -> memref<128xi32, #tpu.memory_space<hbm>>
        %dma_start3A_41 = tpu.memref_slice %arg3[%multiple_of3A] : memref<323584xi32, #tpu.memory_space<hbm>> -> memref<128xi32, #tpu.memory_space<hbm>>
        tpu.enqueue_dma source(%dma_start3A_41 : memref<128xi32, #tpu.memory_space<hbm>>) target(%arg7 : memref<128xi32, #tpu.memory_space<vmem>>) target_semaphore(%run_scoped3A : memref<!tpu.dma_semaphore, #tpu.memory_space<semaphore_mem>>)
        %dma_wait3A_42 = tpu.memref_slice %arg3[%multiple_of3A] : memref<323584xi32, #tpu.memory_space<hbm>> -> memref<128xi32, #tpu.memory_space<hbm>>
        %dma_wait3A_43 = tpu.memref_slice %arg3[%multiple_of3A] : memref<323584xi32, #tpu.memory_space<hbm>> -> memref<128xi32, #tpu.memory_space<hbm>>
        tpu.wait_dma2 semaphore(%run_scoped3A : memref<!tpu.dma_semaphore, #tpu.memory_space<semaphore_mem>>) src(%dma_wait3A_43 : memref<128xi32, #tpu.memory_space<hbm>>) dst(%arg7 : memref<128xi32, #tpu.memory_space<vmem>>)
        tpu.yield
      }) : () -> ()
      %dma_start3A = arith.constant 0 : i32
      %dma_start3A_35 = arith.constant 0 : i32
      %dma_start3A_36 = tpu.memref_slice %arg4[%dma_start3A, %dma_start3A_35] : memref<10000x128xf32, #tpu.memory_space<hbm>> -> memref<10000x128xf32, #tpu.memory_space<hbm>>
      tpu.enqueue_indirect_dma source(%dma_start3A_36 : memref<10000x128xf32, #tpu.memory_space<hbm>>) target(%arg8 : memref<128x128xf32, #tpu.memory_space<vmem>>) offsets(%arg6 : memref<128xi32, #tpu.memory_space<vmem>>) semaphore(%arg11 : memref<!tpu.dma_semaphore, #tpu.memory_space<semaphore_mem>>)
      %dma_wait3A = arith.constant 0 : i32
      %dma_wait3A_37 = arith.constant 0 : i32
      %dma_wait3A_38 = tpu.memref_slice %arg4[%dma_wait3A, %dma_wait3A_37] : memref<10000x128xf32, #tpu.memory_space<hbm>> -> memref<10000x128xf32, #tpu.memory_space<hbm>>
      tpu.wait_indirect_dma semaphore(%arg11 : memref<!tpu.dma_semaphore, #tpu.memory_space<semaphore_mem>>) src(%dma_wait3A_38 : memref<10000x128xf32, #tpu.memory_space<hbm>>) dst(%arg8 : memref<128x128xf32, #tpu.memory_space<vmem>>)
      "tpu.region"() ({
        %run_scoped3A = tpu.sem_alloc : memref<!tpu.dma_semaphore, #tpu.memory_space<semaphore_mem>>
        %dma_start3A_40 = arith.constant 0 : i32
        %dma_start3A_41 = arith.constant 0 : i32
        %dma_start3A_42 = tpu.memref_slice %arg10[%dma_start3A_40, %dma_start3A_41] : memref<10240x128xf32, #tpu.memory_space<vmem_shared>> -> memref<10240x128xf32, #tpu.memory_space<vmem_shared>>
        tpu.enqueue_indirect_dma source(%arg8 : memref<128x128xf32, #tpu.memory_space<vmem>>) target(%dma_start3A_42 : memref<10240x128xf32, #tpu.memory_space<vmem_shared>>) offsets(%arg7 : memref<128xi32, #tpu.memory_space<vmem>>) semaphore(%run_scoped3A : memref<!tpu.dma_semaphore, #tpu.memory_space<semaphore_mem>>) {add = true}
        %dma_wait3A_43 = arith.constant 0 : i32
        %dma_wait3A_44 = arith.constant 0 : i32
        %dma_wait3A_45 = tpu.memref_slice %arg10[%dma_wait3A_43, %dma_wait3A_44] : memref<10240x128xf32, #tpu.memory_space<vmem_shared>> -> memref<10240x128xf32, #tpu.memory_space<vmem_shared>>
        tpu.wait_indirect_dma semaphore(%run_scoped3A : memref<!tpu.dma_semaphore, #tpu.memory_space<semaphore_mem>>) src(%arg8 : memref<128x128xf32, #tpu.memory_space<vmem>>) dst(%dma_wait3A_45 : memref<10240x128xf32, #tpu.memory_space<vmem_shared>>)
        tpu.yield
      }) : () -> ()
      %scan3A_39 = arith.constant 0 : i32
      scf.yield %scan3A_39 : i32
    }
    %scan3A_26 = arith.constant 79 : i32
    %barrier3A_27 = arith.constant 0 : index
    tpu.barrier barrier_id(%barrier3A_27)
    "tpu.region"() ({
      %run_scoped3A = tpu.sem_alloc : memref<!tpu.dma_semaphore, #tpu.memory_space<semaphore_mem>>
      %dma_start3A = arith.constant 0 : i32
      %dma_start3A_28 = tpu.memref_slice %arg5[%arg0, %mul3A_9, %dma_start3A] : memref<2x10240x128xf32, #tpu.memory_space<hbm>> -> memref<1x640x128xf32, #tpu.memory_space<hbm>>
      %dma_start3A_29 = tpu.memref_squeeze %dma_start3A_28 : memref<1x640x128xf32, #tpu.memory_space<hbm>> -> memref<640x128xf32, #tpu.memory_space<hbm>>
      %dma_start3A_30 = arith.constant 0 : i32
      %dma_start3A_31 = tpu.memref_slice %arg10[%mul3A_9, %dma_start3A_30] : memref<10240x128xf32, #tpu.memory_space<vmem_shared>> -> memref<640x128xf32, #tpu.memory_space<vmem_shared>>
      tpu.enqueue_dma source(%dma_start3A_31 : memref<640x128xf32, #tpu.memory_space<vmem_shared>>) target(%dma_start3A_29 : memref<640x128xf32, #tpu.memory_space<hbm>>) target_semaphore(%run_scoped3A : memref<!tpu.dma_semaphore, #tpu.memory_space<semaphore_mem>>)
      %dma_wait3A = arith.constant 0 : i32
      %dma_wait3A_32 = tpu.memref_slice %arg5[%arg0, %mul3A_9, %dma_wait3A] : memref<2x10240x128xf32, #tpu.memory_space<hbm>> -> memref<1x640x128xf32, #tpu.memory_space<hbm>>
      %dma_wait3A_33 = tpu.memref_squeeze %dma_wait3A_32 : memref<1x640x128xf32, #tpu.memory_space<hbm>> -> memref<640x128xf32, #tpu.memory_space<hbm>>
      %dma_wait3A_34 = arith.constant 0 : i32
      %dma_wait3A_35 = tpu.memref_slice %arg10[%mul3A_9, %dma_wait3A_34] : memref<10240x128xf32, #tpu.memory_space<vmem_shared>> -> memref<640x128xf32, #tpu.memory_space<vmem_shared>>
      tpu.wait_dma2 semaphore(%run_scoped3A : memref<!tpu.dma_semaphore, #tpu.memory_space<semaphore_mem>>) src(%dma_wait3A_35 : memref<640x128xf32, #tpu.memory_space<vmem_shared>>) dst(%dma_wait3A_33 : memref<640x128xf32, #tpu.memory_space<hbm>>)
      tpu.yield
    }) : () -> ()
    return
  }
}

#map = affine_map<(d0, d1) -> (0)>
#map1 = affine_map<(d0, d1) -> (0, 0, 0)>
module attributes {stable_mosaic.version = 14 : i64} {
  func.func @_deg_sc(%arg0: i32, %arg1: i32, %arg2: memref<323584xi32, #tpu.memory_space<hbm>>, %arg3: memref<323584xi32, #tpu.memory_space<hbm>>, %arg4: memref<2x2x10240xf32, #tpu.memory_space<hbm>>, %arg5: memref<10240xf32, #tpu.memory_space<vmem>>, %arg6: memref<10240xf32, #tpu.memory_space<vmem>>, %arg7: memref<128xi32, #tpu.memory_space<vmem>>, %arg8: memref<128xi32, #tpu.memory_space<vmem>>, %arg9: memref<16xi32, #tpu.memory_space<vmem>>, %arg10: memref<16xi32, #tpu.memory_space<vmem>>, %arg11: memref<640xf32, #tpu.memory_space<vmem>>, %arg12: memref<640xf32, #tpu.memory_space<vmem>>, %arg13: memref<16x2x10240xf32, #tpu.memory_space<vmem_shared>>) attributes {dimension_semantics = [#tpu.dimension_semantics<core_parallel>, #tpu.dimension_semantics<subcore_parallel>], iteration_bounds = array<i64: 2, 16>, scalar_prefetch = 0 : i64, scratch_operands = 9 : i64, tpu.core_type = #tpu.core_type<sc_vector_subcore>, window_params = [{transform_indices = #map}, {transform_indices = #map}, {transform_indices = #map1}]} {
    %mul3A = arith.constant 16 : i32
    %mul3A_0 = arith.muli %arg0, %mul3A : i32
    %add3A = arith.addi %mul3A_0, %arg1 : i32
    %broadcast_in_dim3A = arith.constant 0.000000e+00 : f32
    %broadcast_in_dim3A_1 = vector.broadcast %broadcast_in_dim3A : f32 to vector<16xf32>
    %broadcast_in_dim3A_2 = arith.constant 1.000000e+00 : f32
    %broadcast_in_dim3A_3 = vector.broadcast %broadcast_in_dim3A_2 : f32 to vector<16xf32>
    %scan3A = arith.constant 0 : i32
    %scan3A_4 = arith.constant 0 : i32
    %scan3A_5 = arith.constant 640 : i32
    %scan3A_6 = arith.addi %scan3A_4, %scan3A_5 : i32
    %scan3A_7 = arith.constant 1 : i32
    %scan3A_8 = scf.for %scan3A_48 = %scan3A_4 to %scan3A_6 step %scan3A_7 iter_args(%scan3A_49 = %scan3A) -> (i32)  : i32 {
      %mul3A_50 = arith.constant 16 : i32
      %mul3A_51 = arith.muli %scan3A_48, %mul3A_50 : i32
      %swap3A = arith.index_cast %mul3A_51 : i32 to index
      %swap3A_52 = tpu.vector_load %arg5[%swap3A] {strides = array<i32>} : memref<10240xf32, #tpu.memory_space<vmem>>, vector<16xf32>,
      tpu.vector_store %arg5[%swap3A], %broadcast_in_dim3A_1 {strides = array<i32>} : memref<10240xf32, #tpu.memory_space<vmem>>, vector<16xf32>,
      %mul3A_53 = arith.constant 16 : i32
      %mul3A_54 = arith.muli %scan3A_48, %mul3A_53 : i32
      %swap3A_55 = arith.index_cast %mul3A_54 : i32 to index
      %swap3A_56 = tpu.vector_load %arg6[%swap3A_55] {strides = array<i32>} : memref<10240xf32, #tpu.memory_space<vmem>>, vector<16xf32>,
      tpu.vector_store %arg6[%swap3A_55], %broadcast_in_dim3A_1 {strides = array<i32>} : memref<10240xf32, #tpu.memory_space<vmem>>, vector<16xf32>,
      %scan3A_57 = arith.constant 0 : i32
      scf.yield %scan3A_57 : i32
    }
    %scan3A_9 = arith.constant 640 : i32
    %scan3A_10 = arith.constant 0 : i32
    %scan3A_11 = arith.constant 0 : i32
    %scan3A_12 = arith.constant 78 : i32
    %scan3A_13 = arith.addi %scan3A_11, %scan3A_12 : i32
    %scan3A_14 = arith.constant 1 : i32
    %scan3A_15 = scf.for %scan3A_48 = %scan3A_11 to %scan3A_13 step %scan3A_14 iter_args(%scan3A_49 = %scan3A_10) -> (i32)  : i32 {
      %mul3A_50 = arith.constant 10000 : i32
      %mul3A_51 = arith.muli %add3A, %mul3A_50 : i32
      %mul3A_52 = arith.constant 128 : i32
      %mul3A_53 = arith.muli %scan3A_48, %mul3A_52 : i32
      %add3A_54 = arith.addi %mul3A_51, %mul3A_53 : i32
      %multiple_of3A_55 = tpu.assume_multiple %add3A_54, 8 : i32
      "tpu.region"() ({
        %run_scoped3A_89 = tpu.sem_alloc : memref<!tpu.dma_semaphore, #tpu.memory_space<semaphore_mem>>
        %dma_start3A = tpu.memref_slice %arg2[%multiple_of3A_55] : memref<323584xi32, #tpu.memory_space<hbm>> -> memref<128xi32, #tpu.memory_space<hbm>>
        %dma_start3A_90 = tpu.memref_slice %arg2[%multiple_of3A_55] : memref<323584xi32, #tpu.memory_space<hbm>> -> memref<128xi32, #tpu.memory_space<hbm>>
        tpu.enqueue_dma source(%dma_start3A_90 : memref<128xi32, #tpu.memory_space<hbm>>) target(%arg7 : memref<128xi32, #tpu.memory_space<vmem>>) target_semaphore(%run_scoped3A_89 : memref<!tpu.dma_semaphore, #tpu.memory_space<semaphore_mem>>)
        %dma_wait3A = tpu.memref_slice %arg2[%multiple_of3A_55] : memref<323584xi32, #tpu.memory_space<hbm>> -> memref<128xi32, #tpu.memory_space<hbm>>
        %dma_wait3A_91 = tpu.memref_slice %arg2[%multiple_of3A_55] : memref<323584xi32, #tpu.memory_space<hbm>> -> memref<128xi32, #tpu.memory_space<hbm>>
        tpu.wait_dma2 semaphore(%run_scoped3A_89 : memref<!tpu.dma_semaphore, #tpu.memory_space<semaphore_mem>>) src(%dma_wait3A_91 : memref<128xi32, #tpu.memory_space<hbm>>) dst(%arg7 : memref<128xi32, #tpu.memory_space<vmem>>)
        tpu.yield
      }) : () -> ()
      "tpu.region"() ({
        %run_scoped3A_89 = tpu.sem_alloc : memref<!tpu.dma_semaphore, #tpu.memory_space<semaphore_mem>>
        %dma_start3A = tpu.memref_slice %arg3[%multiple_of3A_55] : memref<323584xi32, #tpu.memory_space<hbm>> -> memref<128xi32, #tpu.memory_space<hbm>>
        %dma_start3A_90 = tpu.memref_slice %arg3[%multiple_of3A_55] : memref<323584xi32, #tpu.memory_space<hbm>> -> memref<128xi32, #tpu.memory_space<hbm>>
        tpu.enqueue_dma source(%dma_start3A_90 : memref<128xi32, #tpu.memory_space<hbm>>) target(%arg8 : memref<128xi32, #tpu.memory_space<vmem>>) target_semaphore(%run_scoped3A_89 : memref<!tpu.dma_semaphore, #tpu.memory_space<semaphore_mem>>)
        %dma_wait3A = tpu.memref_slice %arg3[%multiple_of3A_55] : memref<323584xi32, #tpu.memory_space<hbm>> -> memref<128xi32, #tpu.memory_space<hbm>>
        %dma_wait3A_91 = tpu.memref_slice %arg3[%multiple_of3A_55] : memref<323584xi32, #tpu.memory_space<hbm>> -> memref<128xi32, #tpu.memory_space<hbm>>
        tpu.wait_dma2 semaphore(%run_scoped3A_89 : memref<!tpu.dma_semaphore, #tpu.memory_space<semaphore_mem>>) src(%dma_wait3A_91 : memref<128xi32, #tpu.memory_space<hbm>>) dst(%arg8 : memref<128xi32, #tpu.memory_space<vmem>>)
        tpu.yield
      }) : () -> ()
      %get3A_56 = arith.constant 0 : index
      %get3A_57 = tpu.vector_load %arg7[%get3A_56] {strides = array<i32>} : memref<128xi32, #tpu.memory_space<vmem>>, vector<16xi32>,
      tpu.vector_store_idx %arg5[%get3A_57], %broadcast_in_dim3A_3 {add = true} : memref<10240xf32, #tpu.memory_space<vmem>>[vector<16xi32>], vector<16xf32>,
      %get3A_58 = arith.constant 0 : index
      %get3A_59 = tpu.vector_load %arg8[%get3A_58] {strides = array<i32>} : memref<128xi32, #tpu.memory_space<vmem>>, vector<16xi32>,
      tpu.vector_store_idx %arg6[%get3A_59], %broadcast_in_dim3A_3 {add = true} : memref<10240xf32, #tpu.memory_space<vmem>>[vector<16xi32>], vector<16xf32>,
      %get3A_60 = arith.constant 16 : index
      %get3A_61 = tpu.vector_load %arg7[%get3A_60] {strides = array<i32>} : memref<128xi32, #tpu.memory_space<vmem>>, vector<16xi32>,
      tpu.vector_store_idx %arg5[%get3A_61], %broadcast_in_dim3A_3 {add = true} : memref<10240xf32, #tpu.memory_space<vmem>>[vector<16xi32>], vector<16xf32>,
      %get3A_62 = arith.constant 16 : index
      %get3A_63 = tpu.vector_load %arg8[%get3A_62] {strides = array<i32>} : memref<128xi32, #tpu.memory_space<vmem>>, vector<16xi32>,
      tpu.vector_store_idx %arg6[%get3A_63], %broadcast_in_dim3A_3 {add = true} : memref<10240xf32, #tpu.memory_space<vmem>>[vector<16xi32>], vector<16xf32>,
      %get3A_64 = arith.constant 32 : index
      %get3A_65 = tpu.vector_load %arg7[%get3A_64] {strides = array<i32>} : memref<128xi32, #tpu.memory_space<vmem>>, vector<16xi32>,
      tpu.vector_store_idx %arg5[%get3A_65], %broadcast_in_dim3A_3 {add = true} : memref<10240xf32, #tpu.memory_space<vmem>>[vector<16xi32>], vector<16xf32>,
      %get3A_66 = arith.constant 32 : index
      %get3A_67 = tpu.vector_load %arg8[%get3A_66] {strides = array<i32>} : memref<128xi32, #tpu.memory_space<vmem>>, vector<16xi32>,
      tpu.vector_store_idx %arg6[%get3A_67], %broadcast_in_dim3A_3 {add = true} : memref<10240xf32, #tpu.memory_space<vmem>>[vector<16xi32>], vector<16xf32>,
      %get3A_68 = arith.constant 48 : index
      %get3A_69 = tpu.vector_load %arg7[%get3A_68] {strides = array<i32>} : memref<128xi32, #tpu.memory_space<vmem>>, vector<16xi32>,
      tpu.vector_store_idx %arg5[%get3A_69], %broadcast_in_dim3A_3 {add = true} : memref<10240xf32, #tpu.memory_space<vmem>>[vector<16xi32>], vector<16xf32>,
      %get3A_70 = arith.constant 48 : index
      %get3A_71 = tpu.vector_load %arg8[%get3A_70] {strides = array<i32>} : memref<128xi32, #tpu.memory_space<vmem>>, vector<16xi32>,
      tpu.vector_store_idx %arg6[%get3A_71], %broadcast_in_dim3A_3 {add = true} : memref<10240xf32, #tpu.memory_space<vmem>>[vector<16xi32>], vector<16xf32>,
      %get3A_72 = arith.constant 64 : index
      %get3A_73 = tpu.vector_load %arg7[%get3A_72] {strides = array<i32>} : memref<128xi32, #tpu.memory_space<vmem>>, vector<16xi32>,
      tpu.vector_store_idx %arg5[%get3A_73], %broadcast_in_dim3A_3 {add = true} : memref<10240xf32, #tpu.memory_space<vmem>>[vector<16xi32>], vector<16xf32>,
      %get3A_74 = arith.constant 64 : index
      %get3A_75 = tpu.vector_load %arg8[%get3A_74] {strides = array<i32>} : memref<128xi32, #tpu.memory_space<vmem>>, vector<16xi32>,
      tpu.vector_store_idx %arg6[%get3A_75], %broadcast_in_dim3A_3 {add = true} : memref<10240xf32, #tpu.memory_space<vmem>>[vector<16xi32>], vector<16xf32>,
      %get3A_76 = arith.constant 80 : index
      %get3A_77 = tpu.vector_load %arg7[%get3A_76] {strides = array<i32>} : memref<128xi32, #tpu.memory_space<vmem>>, vector<16xi32>,
      tpu.vector_store_idx %arg5[%get3A_77], %broadcast_in_dim3A_3 {add = true} : memref<10240xf32, #tpu.memory_space<vmem>>[vector<16xi32>], vector<16xf32>,
      %get3A_78 = arith.constant 80 : index
      %get3A_79 = tpu.vector_load %arg8[%get3A_78] {strides = array<i32>} : memref<128xi32, #tpu.memory_space<vmem>>, vector<16xi32>,
      tpu.vector_store_idx %arg6[%get3A_79], %broadcast_in_dim3A_3 {add = true} : memref<10240xf32, #tpu.memory_space<vmem>>[vector<16xi32>], vector<16xf32>,
      %get3A_80 = arith.constant 96 : index
      %get3A_81 = tpu.vector_load %arg7[%get3A_80] {strides = array<i32>} : memref<128xi32, #tpu.memory_space<vmem>>, vector<16xi32>,
      tpu.vector_store_idx %arg5[%get3A_81], %broadcast_in_dim3A_3 {add = true} : memref<10240xf32, #tpu.memory_space<vmem>>[vector<16xi32>], vector<16xf32>,
      %get3A_82 = arith.constant 96 : index
      %get3A_83 = tpu.vector_load %arg8[%get3A_82] {strides = array<i32>} : memref<128xi32, #tpu.memory_space<vmem>>, vector<16xi32>,
      tpu.vector_store_idx %arg6[%get3A_83], %broadcast_in_dim3A_3 {add = true} : memref<10240xf32, #tpu.memory_space<vmem>>[vector<16xi32>], vector<16xf32>,
      %get3A_84 = arith.constant 112 : index
      %get3A_85 = tpu.vector_load %arg7[%get3A_84] {strides = array<i32>} : memref<128xi32, #tpu.memory_space<vmem>>, vector<16xi32>,
      tpu.vector_store_idx %arg5[%get3A_85], %broadcast_in_dim3A_3 {add = true} : memref<10240xf32, #tpu.memory_space<vmem>>[vector<16xi32>], vector<16xf32>,
      %get3A_86 = arith.constant 112 : index
      %get3A_87 = tpu.vector_load %arg8[%get3A_86] {strides = array<i32>} : memref<128xi32, #tpu.memory_space<vmem>>, vector<16xi32>,
      tpu.vector_store_idx %arg6[%get3A_87], %broadcast_in_dim3A_3 {add = true} : memref<10240xf32, #tpu.memory_space<vmem>>[vector<16xi32>], vector<16xf32>,
      %scan3A_88 = arith.constant 0 : i32
      scf.yield %scan3A_88 : i32
    }
    %scan3A_16 = arith.constant 78 : i32
    %mul3A_17 = arith.constant 10000 : i32
    %mul3A_18 = arith.muli %add3A, %mul3A_17 : i32
    %add3A_19 = arith.constant 9984 : i32
    %add3A_20 = arith.addi %mul3A_18, %add3A_19 : i32
    %multiple_of3A = tpu.assume_multiple %add3A_20, 8 : i32
    "tpu.region"() ({
      %run_scoped3A_48 = tpu.sem_alloc : memref<!tpu.dma_semaphore, #tpu.memory_space<semaphore_mem>>
      %dma_start3A = tpu.memref_slice %arg2[%multiple_of3A] : memref<323584xi32, #tpu.memory_space<hbm>> -> memref<16xi32, #tpu.memory_space<hbm>>
      %dma_start3A_49 = tpu.memref_slice %arg2[%multiple_of3A] : memref<323584xi32, #tpu.memory_space<hbm>> -> memref<16xi32, #tpu.memory_space<hbm>>
      tpu.enqueue_dma source(%dma_start3A_49 : memref<16xi32, #tpu.memory_space<hbm>>) target(%arg9 : memref<16xi32, #tpu.memory_space<vmem>>) target_semaphore(%run_scoped3A_48 : memref<!tpu.dma_semaphore, #tpu.memory_space<semaphore_mem>>)
      %dma_wait3A = tpu.memref_slice %arg2[%multiple_of3A] : memref<323584xi32, #tpu.memory_space<hbm>> -> memref<16xi32, #tpu.memory_space<hbm>>
      %dma_wait3A_50 = tpu.memref_slice %arg2[%multiple_of3A] : memref<323584xi32, #tpu.memory_space<hbm>> -> memref<16xi32, #tpu.memory_space<hbm>>
      tpu.wait_dma2 semaphore(%run_scoped3A_48 : memref<!tpu.dma_semaphore, #tpu.memory_space<semaphore_mem>>) src(%dma_wait3A_50 : memref<16xi32, #tpu.memory_space<hbm>>) dst(%arg9 : memref<16xi32, #tpu.memory_space<vmem>>)
      tpu.yield
    }) : () -> ()
    "tpu.region"() ({
      %run_scoped3A_48 = tpu.sem_alloc : memref<!tpu.dma_semaphore, #tpu.memory_space<semaphore_mem>>
      %dma_start3A = tpu.memref_slice %arg3[%multiple_of3A] : memref<323584xi32, #tpu.memory_space<hbm>> -> memref<16xi32, #tpu.memory_space<hbm>>
      %dma_start3A_49 = tpu.memref_slice %arg3[%multiple_of3A] : memref<323584xi32, #tpu.memory_space<hbm>> -> memref<16xi32, #tpu.memory_space<hbm>>
      tpu.enqueue_dma source(%dma_start3A_49 : memref<16xi32, #tpu.memory_space<hbm>>) target(%arg10 : memref<16xi32, #tpu.memory_space<vmem>>) target_semaphore(%run_scoped3A_48 : memref<!tpu.dma_semaphore, #tpu.memory_space<semaphore_mem>>)
      %dma_wait3A = tpu.memref_slice %arg3[%multiple_of3A] : memref<323584xi32, #tpu.memory_space<hbm>> -> memref<16xi32, #tpu.memory_space<hbm>>
      %dma_wait3A_50 = tpu.memref_slice %arg3[%multiple_of3A] : memref<323584xi32, #tpu.memory_space<hbm>> -> memref<16xi32, #tpu.memory_space<hbm>>
      tpu.wait_dma2 semaphore(%run_scoped3A_48 : memref<!tpu.dma_semaphore, #tpu.memory_space<semaphore_mem>>) src(%dma_wait3A_50 : memref<16xi32, #tpu.memory_space<hbm>>) dst(%arg10 : memref<16xi32, #tpu.memory_space<vmem>>)
      tpu.yield
    }) : () -> ()
    %get3A = arith.constant 0 : index
    %get3A_21 = tpu.vector_load %arg9[%get3A] {strides = array<i32>} : memref<16xi32, #tpu.memory_space<vmem>>, vector<16xi32>,
    tpu.vector_store_idx %arg5[%get3A_21], %broadcast_in_dim3A_3 {add = true} : memref<10240xf32, #tpu.memory_space<vmem>>[vector<16xi32>], vector<16xf32>,
    %get3A_22 = arith.constant 0 : index
    %get3A_23 = tpu.vector_load %arg10[%get3A_22] {strides = array<i32>} : memref<16xi32, #tpu.memory_space<vmem>>, vector<16xi32>,
    tpu.vector_store_idx %arg6[%get3A_23], %broadcast_in_dim3A_3 {add = true} : memref<10240xf32, #tpu.memory_space<vmem>>[vector<16xi32>], vector<16xf32>,
    %run_scoped3A = arith.constant 0 : i32
    "tpu.region"() ({
      %run_scoped3A_48 = tpu.sem_alloc : memref<!tpu.dma_semaphore, #tpu.memory_space<semaphore_mem>>
      %dma_start3A = arith.constant 0 : i32
      %dma_start3A_49 = tpu.memref_slice %arg13[%arg1, %run_scoped3A, %dma_start3A] : memref<16x2x10240xf32, #tpu.memory_space<vmem_shared>> -> memref<1x1x10240xf32, #tpu.memory_space<vmem_shared>>
      %dma_start3A_50 = tpu.memref_squeeze %dma_start3A_49 : memref<1x1x10240xf32, #tpu.memory_space<vmem_shared>> -> memref<10240xf32, #tpu.memory_space<vmem_shared>>
      %dma_start3A_51 = arith.constant 0 : i32
      %dma_start3A_52 = tpu.memref_slice %arg13[%arg1, %run_scoped3A, %dma_start3A_51] : memref<16x2x10240xf32, #tpu.memory_space<vmem_shared>> -> memref<1x1x10240xf32, #tpu.memory_space<vmem_shared>>
      %dma_start3A_53 = tpu.memref_squeeze %dma_start3A_52 : memref<1x1x10240xf32, #tpu.memory_space<vmem_shared>> -> memref<10240xf32, #tpu.memory_space<vmem_shared>>
      tpu.enqueue_dma source(%arg5 : memref<10240xf32, #tpu.memory_space<vmem>>) target(%dma_start3A_53 : memref<10240xf32, #tpu.memory_space<vmem_shared>>) target_semaphore(%run_scoped3A_48 : memref<!tpu.dma_semaphore, #tpu.memory_space<semaphore_mem>>)
      %dma_wait3A = arith.constant 0 : i32
      %dma_wait3A_54 = tpu.memref_slice %arg13[%arg1, %run_scoped3A, %dma_wait3A] : memref<16x2x10240xf32, #tpu.memory_space<vmem_shared>> -> memref<1x1x10240xf32, #tpu.memory_space<vmem_shared>>
      %dma_wait3A_55 = tpu.memref_squeeze %dma_wait3A_54 : memref<1x1x10240xf32, #tpu.memory_space<vmem_shared>> -> memref<10240xf32, #tpu.memory_space<vmem_shared>>
      %dma_wait3A_56 = arith.constant 0 : i32
      %dma_wait3A_57 = tpu.memref_slice %arg13[%arg1, %run_scoped3A, %dma_wait3A_56] : memref<16x2x10240xf32, #tpu.memory_space<vmem_shared>> -> memref<1x1x10240xf32, #tpu.memory_space<vmem_shared>>
      %dma_wait3A_58 = tpu.memref_squeeze %dma_wait3A_57 : memref<1x1x10240xf32, #tpu.memory_space<vmem_shared>> -> memref<10240xf32, #tpu.memory_space<vmem_shared>>
      tpu.wait_dma2 semaphore(%run_scoped3A_48 : memref<!tpu.dma_semaphore, #tpu.memory_space<semaphore_mem>>) src(%arg5 : memref<10240xf32, #tpu.memory_space<vmem>>) dst(%dma_wait3A_58 : memref<10240xf32, #tpu.memory_space<vmem_shared>>)
      tpu.yield
    }) : () -> ()
    %run_scoped3A_24 = arith.constant 1 : i32
    "tpu.region"() ({
      %run_scoped3A_48 = tpu.sem_alloc : memref<!tpu.dma_semaphore, #tpu.memory_space<semaphore_mem>>
      %dma_start3A = arith.constant 0 : i32
      %dma_start3A_49 = tpu.memref_slice %arg13[%arg1, %run_scoped3A_24, %dma_start3A] : memref<16x2x10240xf32, #tpu.memory_space<vmem_shared>> -> memref<1x1x10240xf32, #tpu.memory_space<vmem_shared>>
      %dma_start3A_50 = tpu.memref_squeeze %dma_start3A_49 : memref<1x1x10240xf32, #tpu.memory_space<vmem_shared>> -> memref<10240xf32, #tpu.memory_space<vmem_shared>>
      %dma_start3A_51 = arith.constant 0 : i32
      %dma_start3A_52 = tpu.memref_slice %arg13[%arg1, %run_scoped3A_24, %dma_start3A_51] : memref<16x2x10240xf32, #tpu.memory_space<vmem_shared>> -> memref<1x1x10240xf32, #tpu.memory_space<vmem_shared>>
      %dma_start3A_53 = tpu.memref_squeeze %dma_start3A_52 : memref<1x1x10240xf32, #tpu.memory_space<vmem_shared>> -> memref<10240xf32, #tpu.memory_space<vmem_shared>>
      tpu.enqueue_dma source(%arg6 : memref<10240xf32, #tpu.memory_space<vmem>>) target(%dma_start3A_53 : memref<10240xf32, #tpu.memory_space<vmem_shared>>) target_semaphore(%run_scoped3A_48 : memref<!tpu.dma_semaphore, #tpu.memory_space<semaphore_mem>>)
      %dma_wait3A = arith.constant 0 : i32
      %dma_wait3A_54 = tpu.memref_slice %arg13[%arg1, %run_scoped3A_24, %dma_wait3A] : memref<16x2x10240xf32, #tpu.memory_space<vmem_shared>> -> memref<1x1x10240xf32, #tpu.memory_space<vmem_shared>>
      %dma_wait3A_55 = tpu.memref_squeeze %dma_wait3A_54 : memref<1x1x10240xf32, #tpu.memory_space<vmem_shared>> -> memref<10240xf32, #tpu.memory_space<vmem_shared>>
      %dma_wait3A_56 = arith.constant 0 : i32
      %dma_wait3A_57 = tpu.memref_slice %arg13[%arg1, %run_scoped3A_24, %dma_wait3A_56] : memref<16x2x10240xf32, #tpu.memory_space<vmem_shared>> -> memref<1x1x10240xf32, #tpu.memory_space<vmem_shared>>
      %dma_wait3A_58 = tpu.memref_squeeze %dma_wait3A_57 : memref<1x1x10240xf32, #tpu.memory_space<vmem_shared>> -> memref<10240xf32, #tpu.memory_space<vmem_shared>>
      tpu.wait_dma2 semaphore(%run_scoped3A_48 : memref<!tpu.dma_semaphore, #tpu.memory_space<semaphore_mem>>) src(%arg6 : memref<10240xf32, #tpu.memory_space<vmem>>) dst(%dma_wait3A_58 : memref<10240xf32, #tpu.memory_space<vmem_shared>>)
      tpu.yield
    }) : () -> ()
    %barrier3A = arith.constant 0 : index
    tpu.barrier barrier_id(%barrier3A)
    %mul3A_25 = arith.constant 640 : i32
    %mul3A_26 = arith.muli %arg1, %mul3A_25 : i32
    %multiple_of3A_27 = tpu.assume_multiple %mul3A_26, 8 : i32
    %run_scoped3A_28 = arith.constant 0 : i32
    %run_scoped3A_29 = arith.constant 0 : i32
    "tpu.region"() ({
      %run_scoped3A_48 = tpu.sem_alloc : memref<!tpu.dma_semaphore, #tpu.memory_space<semaphore_mem>>
      %dma_start3A = tpu.memref_slice %arg13[%run_scoped3A_28, %run_scoped3A_29, %multiple_of3A_27] : memref<16x2x10240xf32, #tpu.memory_space<vmem_shared>> -> memref<1x1x640xf32, #tpu.memory_space<vmem_shared>>
      %dma_start3A_49 = tpu.memref_squeeze %dma_start3A : memref<1x1x640xf32, #tpu.memory_space<vmem_shared>> -> memref<640xf32, #tpu.memory_space<vmem_shared>>
      %dma_start3A_50 = tpu.memref_slice %arg13[%run_scoped3A_28, %run_scoped3A_29, %multiple_of3A_27] : memref<16x2x10240xf32, #tpu.memory_space<vmem_shared>> -> memref<1x1x640xf32, #tpu.memory_space<vmem_shared>>
      %dma_start3A_51 = tpu.memref_squeeze %dma_start3A_50 : memref<1x1x640xf32, #tpu.memory_space<vmem_shared>> -> memref<640xf32, #tpu.memory_space<vmem_shared>>
      tpu.enqueue_dma source(%dma_start3A_51 : memref<640xf32, #tpu.memory_space<vmem_shared>>) target(%arg11 : memref<640xf32, #tpu.memory_space<vmem>>) target_semaphore(%run_scoped3A_48 : memref<!tpu.dma_semaphore, #tpu.memory_space<semaphore_mem>>)
      %dma_wait3A = tpu.memref_slice %arg13[%run_scoped3A_28, %run_scoped3A_29, %multiple_of3A_27] : memref<16x2x10240xf32, #tpu.memory_space<vmem_shared>> -> memref<1x1x640xf32, #tpu.memory_space<vmem_shared>>
      %dma_wait3A_52 = tpu.memref_squeeze %dma_wait3A : memref<1x1x640xf32, #tpu.memory_space<vmem_shared>> -> memref<640xf32, #tpu.memory_space<vmem_shared>>
      %dma_wait3A_53 = tpu.memref_slice %arg13[%run_scoped3A_28, %run_scoped3A_29, %multiple_of3A_27] : memref<16x2x10240xf32, #tpu.memory_space<vmem_shared>> -> memref<1x1x640xf32, #tpu.memory_space<vmem_shared>>
      %dma_wait3A_54 = tpu.memref_squeeze %dma_wait3A_53 : memref<1x1x640xf32, #tpu.memory_space<vmem_shared>> -> memref<640xf32, #tpu.memory_space<vmem_shared>>
      tpu.wait_dma2 semaphore(%run_scoped3A_48 : memref<!tpu.dma_semaphore, #tpu.memory_space<semaphore_mem>>) src(%dma_wait3A_54 : memref<640xf32, #tpu.memory_space<vmem_shared>>) dst(%arg11 : memref<640xf32, #tpu.memory_space<vmem>>)
      tpu.yield
    }) : () -> ()
    %scan3A_30 = arith.constant 0 : i32
    %scan3A_31 = arith.constant 1 : i32
    %scan3A_32 = arith.constant 15 : i32
    %scan3A_33 = arith.addi %scan3A_31, %scan3A_32 : i32
    %scan3A_34 = arith.constant 1 : i32
    %scan3A_35 = scf.for %scan3A_48 = %scan3A_31 to %scan3A_33 step %scan3A_34 iter_args(%scan3A_49 = %scan3A_30) -> (i32)  : i32 {
      %run_scoped3A_50 = arith.constant 0 : i32
      "tpu.region"() ({
        %run_scoped3A_59 = tpu.sem_alloc : memref<!tpu.dma_semaphore, #tpu.memory_space<semaphore_mem>>
        %dma_start3A = tpu.memref_slice %arg13[%scan3A_48, %run_scoped3A_50, %multiple_of3A_27] : memref<16x2x10240xf32, #tpu.memory_space<vmem_shared>> -> memref<1x1x640xf32, #tpu.memory_space<vmem_shared>>
        %dma_start3A_60 = tpu.memref_squeeze %dma_start3A : memref<1x1x640xf32, #tpu.memory_space<vmem_shared>> -> memref<640xf32, #tpu.memory_space<vmem_shared>>
        %dma_start3A_61 = tpu.memref_slice %arg13[%scan3A_48, %run_scoped3A_50, %multiple_of3A_27] : memref<16x2x10240xf32, #tpu.memory_space<vmem_shared>> -> memref<1x1x640xf32, #tpu.memory_space<vmem_shared>>
        %dma_start3A_62 = tpu.memref_squeeze %dma_start3A_61 : memref<1x1x640xf32, #tpu.memory_space<vmem_shared>> -> memref<640xf32, #tpu.memory_space<vmem_shared>>
        tpu.enqueue_dma source(%dma_start3A_62 : memref<640xf32, #tpu.memory_space<vmem_shared>>) target(%arg12 : memref<640xf32, #tpu.memory_space<vmem>>) target_semaphore(%run_scoped3A_59 : memref<!tpu.dma_semaphore, #tpu.memory_space<semaphore_mem>>)
        %dma_wait3A = tpu.memref_slice %arg13[%scan3A_48, %run_scoped3A_50, %multiple_of3A_27] : memref<16x2x10240xf32, #tpu.memory_space<vmem_shared>> -> memref<1x1x640xf32, #tpu.memory_space<vmem_shared>>
        %dma_wait3A_63 = tpu.memref_squeeze %dma_wait3A : memref<1x1x640xf32, #tpu.memory_space<vmem_shared>> -> memref<640xf32, #tpu.memory_space<vmem_shared>>
        %dma_wait3A_64 = tpu.memref_slice %arg13[%scan3A_48, %run_scoped3A_50, %multiple_of3A_27] : memref<16x2x10240xf32, #tpu.memory_space<vmem_shared>> -> memref<1x1x640xf32, #tpu.memory_space<vmem_shared>>
        %dma_wait3A_65 = tpu.memref_squeeze %dma_wait3A_64 : memref<1x1x640xf32, #tpu.memory_space<vmem_shared>> -> memref<640xf32, #tpu.memory_space<vmem_shared>>
        tpu.wait_dma2 semaphore(%run_scoped3A_59 : memref<!tpu.dma_semaphore, #tpu.memory_space<semaphore_mem>>) src(%dma_wait3A_65 : memref<640xf32, #tpu.memory_space<vmem_shared>>) dst(%arg12 : memref<640xf32, #tpu.memory_space<vmem>>)
        tpu.yield
      }) : () -> ()
      %scan3A_51 = arith.constant 0 : i32
      %scan3A_52 = arith.constant 0 : i32
      %scan3A_53 = arith.constant 40 : i32
      %scan3A_54 = arith.addi %scan3A_52, %scan3A_53 : i32
      %scan3A_55 = arith.constant 1 : i32
      %scan3A_56 = scf.for %scan3A_59 = %scan3A_52 to %scan3A_54 step %scan3A_55 iter_args(%scan3A_60 = %scan3A_51) -> (i32)  : i32 {
        %mul3A_61 = arith.constant 16 : i32
        %mul3A_62 = arith.muli %scan3A_59, %mul3A_61 : i32
        %get3A_63 = arith.index_cast %mul3A_62 : i32 to index
        %get3A_64 = tpu.vector_load %arg11[%get3A_63] {strides = array<i32>} : memref<640xf32, #tpu.memory_space<vmem>>, vector<16xf32>,
        %get3A_65 = arith.index_cast %mul3A_62 : i32 to index
        %get3A_66 = tpu.vector_load %arg12[%get3A_65] {strides = array<i32>} : memref<640xf32, #tpu.memory_space<vmem>>, vector<16xf32>,
        %add3A_67 = arith.addf %get3A_64, %get3A_66 : vector<16xf32>
        %swap3A = arith.index_cast %mul3A_62 : i32 to index
        %swap3A_68 = tpu.vector_load %arg11[%swap3A] {strides = array<i32>} : memref<640xf32, #tpu.memory_space<vmem>>, vector<16xf32>,
        tpu.vector_store %arg11[%swap3A], %add3A_67 {strides = array<i32>} : memref<640xf32, #tpu.memory_space<vmem>>, vector<16xf32>,
        %scan3A_69 = arith.constant 0 : i32
        scf.yield %scan3A_69 : i32
      }
      %scan3A_57 = arith.constant 40 : i32
      %scan3A_58 = arith.constant 0 : i32
      scf.yield %scan3A_58 : i32
    }
    %scan3A_36 = arith.constant 15 : i32
    %run_scoped3A_37 = arith.constant 0 : i32
    "tpu.region"() ({
      %run_scoped3A_48 = tpu.sem_alloc : memref<!tpu.dma_semaphore, #tpu.memory_space<semaphore_mem>>
      %dma_start3A = tpu.memref_slice %arg4[%arg0, %run_scoped3A_37, %multiple_of3A_27] : memref<2x2x10240xf32, #tpu.memory_space<hbm>> -> memref<1x1x640xf32, #tpu.memory_space<hbm>>
      %dma_start3A_49 = tpu.memref_squeeze %dma_start3A : memref<1x1x640xf32, #tpu.memory_space<hbm>> -> memref<640xf32, #tpu.memory_space<hbm>>
      %dma_start3A_50 = tpu.memref_slice %arg4[%arg0, %run_scoped3A_37, %multiple_of3A_27] : memref<2x2x10240xf32, #tpu.memory_space<hbm>> -> memref<1x1x640xf32, #tpu.memory_space<hbm>>
      %dma_start3A_51 = tpu.memref_squeeze %dma_start3A_50 : memref<1x1x640xf32, #tpu.memory_space<hbm>> -> memref<640xf32, #tpu.memory_space<hbm>>
      tpu.enqueue_dma source(%arg11 : memref<640xf32, #tpu.memory_space<vmem>>) target(%dma_start3A_51 : memref<640xf32, #tpu.memory_space<hbm>>) target_semaphore(%run_scoped3A_48 : memref<!tpu.dma_semaphore, #tpu.memory_space<semaphore_mem>>)
      %dma_wait3A = tpu.memref_slice %arg4[%arg0, %run_scoped3A_37, %multiple_of3A_27] : memref<2x2x10240xf32, #tpu.memory_space<hbm>> -> memref<1x1x640xf32, #tpu.memory_space<hbm>>
      %dma_wait3A_52 = tpu.memref_squeeze %dma_wait3A : memref<1x1x640xf32, #tpu.memory_space<hbm>> -> memref<640xf32, #tpu.memory_space<hbm>>
      %dma_wait3A_53 = tpu.memref_slice %arg4[%arg0, %run_scoped3A_37, %multiple_of3A_27] : memref<2x2x10240xf32, #tpu.memory_space<hbm>> -> memref<1x1x640xf32, #tpu.memory_space<hbm>>
      %dma_wait3A_54 = tpu.memref_squeeze %dma_wait3A_53 : memref<1x1x640xf32, #tpu.memory_space<hbm>> -> memref<640xf32, #tpu.memory_space<hbm>>
      tpu.wait_dma2 semaphore(%run_scoped3A_48 : memref<!tpu.dma_semaphore, #tpu.memory_space<semaphore_mem>>) src(%arg11 : memref<640xf32, #tpu.memory_space<vmem>>) dst(%dma_wait3A_54 : memref<640xf32, #tpu.memory_space<hbm>>)
      tpu.yield
    }) : () -> ()
    %run_scoped3A_38 = arith.constant 0 : i32
    %run_scoped3A_39 = arith.constant 1 : i32
    "tpu.region"() ({
      %run_scoped3A_48 = tpu.sem_alloc : memref<!tpu.dma_semaphore, #tpu.memory_space<semaphore_mem>>
      %dma_start3A = tpu.memref_slice %arg13[%run_scoped3A_38, %run_scoped3A_39, %multiple_of3A_27] : memref<16x2x10240xf32, #tpu.memory_space<vmem_shared>> -> memref<1x1x640xf32, #tpu.memory_space<vmem_shared>>
      %dma_start3A_49 = tpu.memref_squeeze %dma_start3A : memref<1x1x640xf32, #tpu.memory_space<vmem_shared>> -> memref<640xf32, #tpu.memory_space<vmem_shared>>
      %dma_start3A_50 = tpu.memref_slice %arg13[%run_scoped3A_38, %run_scoped3A_39, %multiple_of3A_27] : memref<16x2x10240xf32, #tpu.memory_space<vmem_shared>> -> memref<1x1x640xf32, #tpu.memory_space<vmem_shared>>
      %dma_start3A_51 = tpu.memref_squeeze %dma_start3A_50 : memref<1x1x640xf32, #tpu.memory_space<vmem_shared>> -> memref<640xf32, #tpu.memory_space<vmem_shared>>
      tpu.enqueue_dma source(%dma_start3A_51 : memref<640xf32, #tpu.memory_space<vmem_shared>>) target(%arg11 : memref<640xf32, #tpu.memory_space<vmem>>) target_semaphore(%run_scoped3A_48 : memref<!tpu.dma_semaphore, #tpu.memory_space<semaphore_mem>>)
      %dma_wait3A = tpu.memref_slice %arg13[%run_scoped3A_38, %run_scoped3A_39, %multiple_of3A_27] : memref<16x2x10240xf32, #tpu.memory_space<vmem_shared>> -> memref<1x1x640xf32, #tpu.memory_space<vmem_shared>>
      %dma_wait3A_52 = tpu.memref_squeeze %dma_wait3A : memref<1x1x640xf32, #tpu.memory_space<vmem_shared>> -> memref<640xf32, #tpu.memory_space<vmem_shared>>
      %dma_wait3A_53 = tpu.memref_slice %arg13[%run_scoped3A_38, %run_scoped3A_39, %multiple_of3A_27] : memref<16x2x10240xf32, #tpu.memory_space<vmem_shared>> -> memref<1x1x640xf32, #tpu.memory_space<vmem_shared>>
      %dma_wait3A_54 = tpu.memref_squeeze %dma_wait3A_53 : memref<1x1x640xf32, #tpu.memory_space<vmem_shared>> -> memref<640xf32, #tpu.memory_space<vmem_shared>>
      tpu.wait_dma2 semaphore(%run_scoped3A_48 : memref<!tpu.dma_semaphore, #tpu.memory_space<semaphore_mem>>) src(%dma_wait3A_54 : memref<640xf32, #tpu.memory_space<vmem_shared>>) dst(%arg11 : memref<640xf32, #tpu.memory_space<vmem>>)
      tpu.yield
    }) : () -> ()
    %scan3A_40 = arith.constant 0 : i32
    %scan3A_41 = arith.constant 1 : i32
    %scan3A_42 = arith.constant 15 : i32
    %scan3A_43 = arith.addi %scan3A_41, %scan3A_42 : i32
    %scan3A_44 = arith.constant 1 : i32
    %scan3A_45 = scf.for %scan3A_48 = %scan3A_41 to %scan3A_43 step %scan3A_44 iter_args(%scan3A_49 = %scan3A_40) -> (i32)  : i32 {
      %run_scoped3A_50 = arith.constant 1 : i32
      "tpu.region"() ({
        %run_scoped3A_59 = tpu.sem_alloc : memref<!tpu.dma_semaphore, #tpu.memory_space<semaphore_mem>>
        %dma_start3A = tpu.memref_slice %arg13[%scan3A_48, %run_scoped3A_50, %multiple_of3A_27] : memref<16x2x10240xf32, #tpu.memory_space<vmem_shared>> -> memref<1x1x640xf32, #tpu.memory_space<vmem_shared>>
        %dma_start3A_60 = tpu.memref_squeeze %dma_start3A : memref<1x1x640xf32, #tpu.memory_space<vmem_shared>> -> memref<640xf32, #tpu.memory_space<vmem_shared>>
        %dma_start3A_61 = tpu.memref_slice %arg13[%scan3A_48, %run_scoped3A_50, %multiple_of3A_27] : memref<16x2x10240xf32, #tpu.memory_space<vmem_shared>> -> memref<1x1x640xf32, #tpu.memory_space<vmem_shared>>
        %dma_start3A_62 = tpu.memref_squeeze %dma_start3A_61 : memref<1x1x640xf32, #tpu.memory_space<vmem_shared>> -> memref<640xf32, #tpu.memory_space<vmem_shared>>
        tpu.enqueue_dma source(%dma_start3A_62 : memref<640xf32, #tpu.memory_space<vmem_shared>>) target(%arg12 : memref<640xf32, #tpu.memory_space<vmem>>) target_semaphore(%run_scoped3A_59 : memref<!tpu.dma_semaphore, #tpu.memory_space<semaphore_mem>>)
        %dma_wait3A = tpu.memref_slice %arg13[%scan3A_48, %run_scoped3A_50, %multiple_of3A_27] : memref<16x2x10240xf32, #tpu.memory_space<vmem_shared>> -> memref<1x1x640xf32, #tpu.memory_space<vmem_shared>>
        %dma_wait3A_63 = tpu.memref_squeeze %dma_wait3A : memref<1x1x640xf32, #tpu.memory_space<vmem_shared>> -> memref<640xf32, #tpu.memory_space<vmem_shared>>
        %dma_wait3A_64 = tpu.memref_slice %arg13[%scan3A_48, %run_scoped3A_50, %multiple_of3A_27] : memref<16x2x10240xf32, #tpu.memory_space<vmem_shared>> -> memref<1x1x640xf32, #tpu.memory_space<vmem_shared>>
        %dma_wait3A_65 = tpu.memref_squeeze %dma_wait3A_64 : memref<1x1x640xf32, #tpu.memory_space<vmem_shared>> -> memref<640xf32, #tpu.memory_space<vmem_shared>>
        tpu.wait_dma2 semaphore(%run_scoped3A_59 : memref<!tpu.dma_semaphore, #tpu.memory_space<semaphore_mem>>) src(%dma_wait3A_65 : memref<640xf32, #tpu.memory_space<vmem_shared>>) dst(%arg12 : memref<640xf32, #tpu.memory_space<vmem>>)
        tpu.yield
      }) : () -> ()
      %scan3A_51 = arith.constant 0 : i32
      %scan3A_52 = arith.constant 0 : i32
      %scan3A_53 = arith.constant 40 : i32
      %scan3A_54 = arith.addi %scan3A_52, %scan3A_53 : i32
      %scan3A_55 = arith.constant 1 : i32
      %scan3A_56 = scf.for %scan3A_59 = %scan3A_52 to %scan3A_54 step %scan3A_55 iter_args(%scan3A_60 = %scan3A_51) -> (i32)  : i32 {
        %mul3A_61 = arith.constant 16 : i32
        %mul3A_62 = arith.muli %scan3A_59, %mul3A_61 : i32
        %get3A_63 = arith.index_cast %mul3A_62 : i32 to index
        %get3A_64 = tpu.vector_load %arg11[%get3A_63] {strides = array<i32>} : memref<640xf32, #tpu.memory_space<vmem>>, vector<16xf32>,
        %get3A_65 = arith.index_cast %mul3A_62 : i32 to index
        %get3A_66 = tpu.vector_load %arg12[%get3A_65] {strides = array<i32>} : memref<640xf32, #tpu.memory_space<vmem>>, vector<16xf32>,
        %add3A_67 = arith.addf %get3A_64, %get3A_66 : vector<16xf32>
        %swap3A = arith.index_cast %mul3A_62 : i32 to index
        %swap3A_68 = tpu.vector_load %arg11[%swap3A] {strides = array<i32>} : memref<640xf32, #tpu.memory_space<vmem>>, vector<16xf32>,
        tpu.vector_store %arg11[%swap3A], %add3A_67 {strides = array<i32>} : memref<640xf32, #tpu.memory_space<vmem>>, vector<16xf32>,
        %scan3A_69 = arith.constant 0 : i32
        scf.yield %scan3A_69 : i32
      }
      %scan3A_57 = arith.constant 40 : i32
      %scan3A_58 = arith.constant 0 : i32
      scf.yield %scan3A_58 : i32
    }
    %scan3A_46 = arith.constant 15 : i32
    %run_scoped3A_47 = arith.constant 1 : i32
    "tpu.region"() ({
      %run_scoped3A_48 = tpu.sem_alloc : memref<!tpu.dma_semaphore, #tpu.memory_space<semaphore_mem>>
      %dma_start3A = tpu.memref_slice %arg4[%arg0, %run_scoped3A_47, %multiple_of3A_27] : memref<2x2x10240xf32, #tpu.memory_space<hbm>> -> memref<1x1x640xf32, #tpu.memory_space<hbm>>
      %dma_start3A_49 = tpu.memref_squeeze %dma_start3A : memref<1x1x640xf32, #tpu.memory_space<hbm>> -> memref<640xf32, #tpu.memory_space<hbm>>
      %dma_start3A_50 = tpu.memref_slice %arg4[%arg0, %run_scoped3A_47, %multiple_of3A_27] : memref<2x2x10240xf32, #tpu.memory_space<hbm>> -> memref<1x1x640xf32, #tpu.memory_space<hbm>>
      %dma_start3A_51 = tpu.memref_squeeze %dma_start3A_50 : memref<1x1x640xf32, #tpu.memory_space<hbm>> -> memref<640xf32, #tpu.memory_space<hbm>>
      tpu.enqueue_dma source(%arg11 : memref<640xf32, #tpu.memory_space<vmem>>) target(%dma_start3A_51 : memref<640xf32, #tpu.memory_space<hbm>>) target_semaphore(%run_scoped3A_48 : memref<!tpu.dma_semaphore, #tpu.memory_space<semaphore_mem>>)
      %dma_wait3A = tpu.memref_slice %arg4[%arg0, %run_scoped3A_47, %multiple_of3A_27] : memref<2x2x10240xf32, #tpu.memory_space<hbm>> -> memref<1x1x640xf32, #tpu.memory_space<hbm>>
      %dma_wait3A_52 = tpu.memref_squeeze %dma_wait3A : memref<1x1x640xf32, #tpu.memory_space<hbm>> -> memref<640xf32, #tpu.memory_space<hbm>>
      %dma_wait3A_53 = tpu.memref_slice %arg4[%arg0, %run_scoped3A_47, %multiple_of3A_27] : memref<2x2x10240xf32, #tpu.memory_space<hbm>> -> memref<1x1x640xf32, #tpu.memory_space<hbm>>
      %dma_wait3A_54 = tpu.memref_squeeze %dma_wait3A_53 : memref<1x1x640xf32, #tpu.memory_space<hbm>> -> memref<640xf32, #tpu.memory_space<hbm>>
      tpu.wait_dma2 semaphore(%run_scoped3A_48 : memref<!tpu.dma_semaphore, #tpu.memory_space<semaphore_mem>>) src(%arg11 : memref<640xf32, #tpu.memory_space<vmem>>) dst(%dma_wait3A_54 : memref<640xf32, #tpu.memory_space<hbm>>)
      tpu.yield
    }) : () -> ()
    return
  }
}

module attributes {stable_mosaic.version = 14 : i64} {
  func.func @_mid_body(%arg0: i32, %arg1: memref<2x2000x128xf32, #tpu.memory_space<vmem>>, %arg2: memref<2000x128xf32, #tpu.memory_space<vmem>>, %arg3: memref<2x2x2000x1xf32, #tpu.memory_space<vmem>>, %arg4: memref<128x256xf32, #tpu.memory_space<vmem>>, %arg5: memref<1x256xf32, #tpu.memory_space<vmem>>, %arg6: memref<256x128xf32, #tpu.memory_space<vmem>>, %arg7: memref<2000x128xf32, #tpu.memory_space<vmem>>) attributes {dimension_semantics = [#tpu.dimension_semantics<arbitrary>], iteration_bounds = array<i64: 5>, scalar_prefetch = 0 : i64, scratch_operands = 0 : i64, tpu.core_type = #tpu.core_type<tc>, window_params = [{transform_indices = @transform_0, window_bounds = array<i64: 2, 2000, 128>}, {transform_indices = @transform_1, window_bounds = array<i64: 2000, 128>}, {transform_indices = @transform_2, window_bounds = array<i64: 2, 2, 2000, 1>}, {pipeline_mode = #tpu.pipeline_mode<synchronous>, transform_indices = @transform_3, window_bounds = array<i64: 128, 256>}, {pipeline_mode = #tpu.pipeline_mode<synchronous>, transform_indices = @transform_4, window_bounds = array<i64: 1, 256>}, {pipeline_mode = #tpu.pipeline_mode<synchronous>, transform_indices = @transform_5, window_bounds = array<i64: 256, 128>}, {transform_indices = @transform_6, window_bounds = array<i64: 2000, 128>}]} {
    %get3A = arith.constant 0 : index
    %get3A_0 = arith.constant 0 : index
    %get3A_1 = arith.constant 0 : index
    %get3A_2 = arith.constant 0 : index
    %get3A_3 = vector.load %arg3[%get3A, %get3A_0, %get3A_1, %get3A_2] : memref<2x2x2000x1xf32, #tpu.memory_space<vmem>>, vector<2x2x2000x1xf32>
    %slice3A = vector.extract_strided_slice %get3A_3 {offsets = [0, 0, 0, 0], sizes = [1, 1, 2000, 1], strides = [1, 1, 1, 1]} : vector<2x2x2000x1xf32> to vector<1x1x2000x1xf32>
    %squeeze3A = vector.shape_cast %slice3A : vector<1x1x2000x1xf32> to vector<2000x1xf32>
    %slice3A_4 = vector.extract_strided_slice %get3A_3 {offsets = [1, 0, 0, 0], sizes = [1, 1, 2000, 1], strides = [1, 1, 1, 1]} : vector<2x2x2000x1xf32> to vector<1x1x2000x1xf32>
    %squeeze3A_5 = vector.shape_cast %slice3A_4 : vector<1x1x2000x1xf32> to vector<2000x1xf32>
    %add3A = arith.addf %squeeze3A, %squeeze3A_5 : vector<2000x1xf32>
    %add3A_6 = arith.constant 1.000000e+00 : f32
    %add3A_7 = vector.broadcast %add3A_6 : f32 to vector<2000x1xf32>
    %add3A_8 = arith.addf %add3A, %add3A_7 : vector<2000x1xf32>
    %rsqrt3A = math.rsqrt %add3A_8 : vector<2000x1xf32>
    %slice3A_9 = vector.extract_strided_slice %get3A_3 {offsets = [0, 1, 0, 0], sizes = [1, 1, 2000, 1], strides = [1, 1, 1, 1]} : vector<2x2x2000x1xf32> to vector<1x1x2000x1xf32>
    %squeeze3A_10 = vector.shape_cast %slice3A_9 : vector<1x1x2000x1xf32> to vector<2000x1xf32>
    %slice3A_11 = vector.extract_strided_slice %get3A_3 {offsets = [1, 1, 0, 0], sizes = [1, 1, 2000, 1], strides = [1, 1, 1, 1]} : vector<2x2x2000x1xf32> to vector<1x1x2000x1xf32>
    %squeeze3A_12 = vector.shape_cast %slice3A_11 : vector<1x1x2000x1xf32> to vector<2000x1xf32>
    %add3A_13 = arith.addf %squeeze3A_10, %squeeze3A_12 : vector<2000x1xf32>
    %add3A_14 = arith.constant 1.000000e+00 : f32
    %add3A_15 = vector.broadcast %add3A_14 : f32 to vector<2000x1xf32>
    %add3A_16 = arith.addf %add3A_13, %add3A_15 : vector<2000x1xf32>
    %rsqrt3A_17 = math.rsqrt %add3A_16 : vector<2000x1xf32>
    %get3A_18 = arith.constant 0 : index
    %get3A_19 = arith.constant 0 : index
    %get3A_20 = arith.constant 0 : index
    %get3A_21 = vector.load %arg1[%get3A_18, %get3A_19, %get3A_20] : memref<2x2000x128xf32, #tpu.memory_space<vmem>>, vector<1x2000x128xf32>
    %get3A_22 = vector.shape_cast %get3A_21 : vector<1x2000x128xf32> to vector<2000x128xf32>
    %get3A_23 = arith.constant 1 : index
    %get3A_24 = arith.constant 0 : index
    %get3A_25 = arith.constant 0 : index
    %get3A_26 = vector.load %arg1[%get3A_23, %get3A_24, %get3A_25] : memref<2x2000x128xf32, #tpu.memory_space<vmem>>, vector<1x2000x128xf32>
    %get3A_27 = vector.shape_cast %get3A_26 : vector<1x2000x128xf32> to vector<2000x128xf32>
    %add3A_28 = arith.addf %get3A_22, %get3A_27 : vector<2000x128xf32>
    %get3A_29 = arith.constant 0 : index
    %get3A_30 = arith.constant 0 : index
    %get3A_31 = vector.load %arg2[%get3A_29, %get3A_30] : memref<2000x128xf32, #tpu.memory_space<vmem>>, vector<2000x128xf32>
    %add3A_32 = arith.addf %add3A_28, %get3A_31 : vector<2000x128xf32>
    %mul3A = vector.broadcast %rsqrt3A_17 : vector<2000x1xf32> to vector<2000x128xf32>
    %mul3A_33 = arith.mulf %add3A_32, %mul3A : vector<2000x128xf32>
    %get3A_34 = arith.constant 0 : index
    %get3A_35 = arith.constant 0 : index
    %get3A_36 = vector.load %arg4[%get3A_34, %get3A_35] : memref<128x256xf32, #tpu.memory_space<vmem>>, vector<128x256xf32>
    %dot_general3A = arith.constant dense<0.000000e+00> : vector<2000x256xf32>
    %dot_general3A_37 = tpu.matmul %mul3A_33, %get3A_36, %dot_general3A {dimension_numbers = #tpu.dot_dimension_numbers<[1], [0], [0], [1], [0, 0, 1, 1], [], []>, transpose_lhs_hint = false} : vector<2000x128xf32>, vector<128x256xf32>, vector<2000x256xf32> -> vector<2000x256xf32>
    %get3A_38 = arith.constant 0 : index
    %get3A_39 = arith.constant 0 : index
    %get3A_40 = vector.load %arg5[%get3A_38, %get3A_39] : memref<1x256xf32, #tpu.memory_space<vmem>>, vector<1x256xf32>
    %add3A_41 = vector.broadcast %get3A_40 : vector<1x256xf32> to vector<2000x256xf32>
    %add3A_42 = arith.addf %dot_general3A_37, %add3A_41 : vector<2000x256xf32>
    %max3A = arith.constant 0.000000e+00 : f32
    %max3A_43 = vector.broadcast %max3A : f32 to vector<2000x256xf32>
    %max3A_44 = arith.maximumf %add3A_42, %max3A_43 : vector<2000x256xf32>
    %mul3A_45 = vector.broadcast %rsqrt3A : vector<2000x1xf32> to vector<2000x256xf32>
    %mul3A_46 = arith.mulf %max3A_44, %mul3A_45 : vector<2000x256xf32>
    %get3A_47 = arith.constant 0 : index
    %get3A_48 = arith.constant 0 : index
    %get3A_49 = vector.load %arg6[%get3A_47, %get3A_48] : memref<256x128xf32, #tpu.memory_space<vmem>>, vector<256x128xf32>
    %dot_general3A_50 = arith.constant dense<0.000000e+00> : vector<2000x128xf32>
    %dot_general3A_51 = tpu.matmul %mul3A_46, %get3A_49, %dot_general3A_50 {dimension_numbers = #tpu.dot_dimension_numbers<[1], [0], [0], [1], [0, 0, 1, 1], [], []>, transpose_lhs_hint = false} : vector<2000x256xf32>, vector<256x128xf32>, vector<2000x128xf32> -> vector<2000x128xf32>
    %swap3A = arith.constant 0 : index
    %swap3A_52 = arith.constant 0 : index
    %swap3A_53 = vector.load %arg7[%swap3A, %swap3A_52] : memref<2000x128xf32, #tpu.memory_space<vmem>>, vector<2000x128xf32>
    tpu.vector_store %arg7[%swap3A, %swap3A_52], %dot_general3A_51 {strides = array<i32>} : memref<2000x128xf32, #tpu.memory_space<vmem>>, vector<2000x128xf32>,
    return
  }
  func.func @transform_0(%arg0: i32) -> (i32, i32, i32) {
    %c0_i32 = arith.constant 0 : i32
    %c0_i32_0 = arith.constant 0 : i32
    %c0_i32_1 = arith.constant 0 : i32
    return %c0_i32, %arg0, %c0_i32_0 : i32, i32, i32
  }
  func.func @transform_1(%arg0: i32) -> (i32, i32) {
    %c0_i32 = arith.constant 0 : i32
    %c0_i32_0 = arith.constant 0 : i32
    return %arg0, %c0_i32 : i32, i32
  }
  func.func @transform_2(%arg0: i32) -> (i32, i32, i32, i32) {
    %c0_i32 = arith.constant 0 : i32
    %c0_i32_0 = arith.constant 0 : i32
    %c0_i32_1 = arith.constant 0 : i32
    %c0_i32_2 = arith.constant 0 : i32
    return %c0_i32, %c0_i32_0, %arg0, %c0_i32_1 : i32, i32, i32, i32
  }
  func.func @transform_3(%arg0: i32) -> (i32, i32) {
    %c0_i32 = arith.constant 0 : i32
    %c0_i32_0 = arith.constant 0 : i32
    %c0_i32_1 = arith.constant 0 : i32
    return %c0_i32, %c0_i32_0 : i32, i32
  }
  func.func @transform_4(%arg0: i32) -> (i32, i32) {
    %c0_i32 = arith.constant 0 : i32
    %c0_i32_0 = arith.constant 0 : i32
    %c0_i32_1 = arith.constant 0 : i32
    return %c0_i32, %c0_i32_0 : i32, i32
  }
  func.func @transform_5(%arg0: i32) -> (i32, i32) {
    %c0_i32 = arith.constant 0 : i32
    %c0_i32_0 = arith.constant 0 : i32
    %c0_i32_1 = arith.constant 0 : i32
    return %c0_i32, %c0_i32_0 : i32, i32
  }
  func.func @transform_6(%arg0: i32) -> (i32, i32) {
    %c0_i32 = arith.constant 0 : i32
    %c0_i32_0 = arith.constant 0 : i32
    return %arg0, %c0_i32 : i32, i32
  }
}

module attributes {stable_mosaic.version = 14 : i64} {
  func.func @_xs_body(%arg0: i32, %arg1: memref<2000x128xf32, #tpu.memory_space<vmem>>, %arg2: memref<2x2x2000x1xf32, #tpu.memory_space<vmem>>, %arg3: memref<2000x128xf32, #tpu.memory_space<vmem>>) attributes {dimension_semantics = [#tpu.dimension_semantics<arbitrary>], iteration_bounds = array<i64: 5>, scalar_prefetch = 0 : i64, scratch_operands = 0 : i64, tpu.core_type = #tpu.core_type<tc>, window_params = [{transform_indices = @transform_0, window_bounds = array<i64: 2000, 128>}, {transform_indices = @transform_1, window_bounds = array<i64: 2, 2, 2000, 1>}, {transform_indices = @transform_2, window_bounds = array<i64: 2000, 128>}]} {
    %get3A = arith.constant 0 : index
    %get3A_0 = arith.constant 0 : index
    %get3A_1 = arith.constant 0 : index
    %get3A_2 = arith.constant 0 : index
    %get3A_3 = vector.load %arg2[%get3A, %get3A_0, %get3A_1, %get3A_2] : memref<2x2x2000x1xf32, #tpu.memory_space<vmem>>, vector<2x2x2000x1xf32>
    %slice3A = vector.extract_strided_slice %get3A_3 {offsets = [0, 0, 0, 0], sizes = [1, 1, 2000, 1], strides = [1, 1, 1, 1]} : vector<2x2x2000x1xf32> to vector<1x1x2000x1xf32>
    %squeeze3A = vector.shape_cast %slice3A : vector<1x1x2000x1xf32> to vector<2000x1xf32>
    %slice3A_4 = vector.extract_strided_slice %get3A_3 {offsets = [1, 0, 0, 0], sizes = [1, 1, 2000, 1], strides = [1, 1, 1, 1]} : vector<2x2x2000x1xf32> to vector<1x1x2000x1xf32>
    %squeeze3A_5 = vector.shape_cast %slice3A_4 : vector<1x1x2000x1xf32> to vector<2000x1xf32>
    %add3A = arith.addf %squeeze3A, %squeeze3A_5 : vector<2000x1xf32>
    %add3A_6 = arith.constant 1.000000e+00 : f32
    %add3A_7 = vector.broadcast %add3A_6 : f32 to vector<2000x1xf32>
    %add3A_8 = arith.addf %add3A, %add3A_7 : vector<2000x1xf32>
    %rsqrt3A = math.rsqrt %add3A_8 : vector<2000x1xf32>
    %get3A_9 = arith.constant 0 : index
    %get3A_10 = arith.constant 0 : index
    %get3A_11 = vector.load %arg1[%get3A_9, %get3A_10] : memref<2000x128xf32, #tpu.memory_space<vmem>>, vector<2000x128xf32>
    %mul3A = vector.broadcast %rsqrt3A : vector<2000x1xf32> to vector<2000x128xf32>
    %mul3A_12 = arith.mulf %get3A_11, %mul3A : vector<2000x128xf32>
    %swap3A = arith.constant 0 : index
    %swap3A_13 = arith.constant 0 : index
    %swap3A_14 = vector.load %arg3[%swap3A, %swap3A_13] : memref<2000x128xf32, #tpu.memory_space<vmem>>, vector<2000x128xf32>
    tpu.vector_store %arg3[%swap3A, %swap3A_13], %mul3A_12 {strides = array<i32>} : memref<2000x128xf32, #tpu.memory_space<vmem>>, vector<2000x128xf32>,
    return
  }
  func.func @transform_0(%arg0: i32) -> (i32, i32) {
    %c0_i32 = arith.constant 0 : i32
    %c0_i32_0 = arith.constant 0 : i32
    return %arg0, %c0_i32 : i32, i32
  }
  func.func @transform_1(%arg0: i32) -> (i32, i32, i32, i32) {
    %c0_i32 = arith.constant 0 : i32
    %c0_i32_0 = arith.constant 0 : i32
    %c0_i32_1 = arith.constant 0 : i32
    %c0_i32_2 = arith.constant 0 : i32
    return %c0_i32, %c0_i32_0, %arg0, %c0_i32_1 : i32, i32, i32, i32
  }
  func.func @transform_2(%arg0: i32) -> (i32, i32) {
    %c0_i32 = arith.constant 0 : i32
    %c0_i32_0 = arith.constant 0 : i32
    return %arg0, %c0_i32 : i32, i32
  }
}

module attributes {stable_mosaic.version = 14 : i64} {
  func.func @_fin_body(%arg0: i32, %arg1: memref<2x2000x128xf32, #tpu.memory_space<vmem>>, %arg2: memref<2000x128xf32, #tpu.memory_space<vmem>>, %arg3: memref<2x2x2000x1xf32, #tpu.memory_space<vmem>>, %arg4: memref<1x128xf32, #tpu.memory_space<vmem>>, %arg5: memref<2000x128xf32, #tpu.memory_space<vmem>>) attributes {dimension_semantics = [#tpu.dimension_semantics<arbitrary>], iteration_bounds = array<i64: 5>, scalar_prefetch = 0 : i64, scratch_operands = 0 : i64, tpu.core_type = #tpu.core_type<tc>, window_params = [{transform_indices = @transform_0, window_bounds = array<i64: 2, 2000, 128>}, {transform_indices = @transform_1, window_bounds = array<i64: 2000, 128>}, {transform_indices = @transform_2, window_bounds = array<i64: 2, 2, 2000, 1>}, {pipeline_mode = #tpu.pipeline_mode<synchronous>, transform_indices = @transform_3, window_bounds = array<i64: 1, 128>}, {transform_indices = @transform_4, window_bounds = array<i64: 2000, 128>}]} {
    %get3A = arith.constant 0 : index
    %get3A_0 = arith.constant 0 : index
    %get3A_1 = arith.constant 0 : index
    %get3A_2 = arith.constant 0 : index
    %get3A_3 = vector.load %arg3[%get3A, %get3A_0, %get3A_1, %get3A_2] : memref<2x2x2000x1xf32, #tpu.memory_space<vmem>>, vector<2x2x2000x1xf32>
    %slice3A = vector.extract_strided_slice %get3A_3 {offsets = [0, 1, 0, 0], sizes = [1, 1, 2000, 1], strides = [1, 1, 1, 1]} : vector<2x2x2000x1xf32> to vector<1x1x2000x1xf32>
    %squeeze3A = vector.shape_cast %slice3A : vector<1x1x2000x1xf32> to vector<2000x1xf32>
    %slice3A_4 = vector.extract_strided_slice %get3A_3 {offsets = [1, 1, 0, 0], sizes = [1, 1, 2000, 1], strides = [1, 1, 1, 1]} : vector<2x2x2000x1xf32> to vector<1x1x2000x1xf32>
    %squeeze3A_5 = vector.shape_cast %slice3A_4 : vector<1x1x2000x1xf32> to vector<2000x1xf32>
    %add3A = arith.addf %squeeze3A, %squeeze3A_5 : vector<2000x1xf32>
    %add3A_6 = arith.constant 1.000000e+00 : f32
    %add3A_7 = vector.broadcast %add3A_6 : f32 to vector<2000x1xf32>
    %add3A_8 = arith.addf %add3A, %add3A_7 : vector<2000x1xf32>
    %rsqrt3A = math.rsqrt %add3A_8 : vector<2000x1xf32>
    %get3A_9 = arith.constant 0 : index
    %get3A_10 = arith.constant 0 : index
    %get3A_11 = arith.constant 0 : index
    %get3A_12 = vector.load %arg1[%get3A_9, %get3A_10, %get3A_11] : memref<2x2000x128xf32, #tpu.memory_space<vmem>>, vector<1x2000x128xf32>
    %get3A_13 = vector.shape_cast %get3A_12 : vector<1x2000x128xf32> to vector<2000x128xf32>
    %get3A_14 = arith.constant 1 : index
    %get3A_15 = arith.constant 0 : index
    %get3A_16 = arith.constant 0 : index
    %get3A_17 = vector.load %arg1[%get3A_14, %get3A_15, %get3A_16] : memref<2x2000x128xf32, #tpu.memory_space<vmem>>, vector<1x2000x128xf32>
    %get3A_18 = vector.shape_cast %get3A_17 : vector<1x2000x128xf32> to vector<2000x128xf32>
    %add3A_19 = arith.addf %get3A_13, %get3A_18 : vector<2000x128xf32>
    %get3A_20 = arith.constant 0 : index
    %get3A_21 = arith.constant 0 : index
    %get3A_22 = vector.load %arg2[%get3A_20, %get3A_21] : memref<2000x128xf32, #tpu.memory_space<vmem>>, vector<2000x128xf32>
    %add3A_23 = arith.addf %add3A_19, %get3A_22 : vector<2000x128xf32>
    %mul3A = vector.broadcast %rsqrt3A : vector<2000x1xf32> to vector<2000x128xf32>
    %mul3A_24 = arith.mulf %add3A_23, %mul3A : vector<2000x128xf32>
    %get3A_25 = arith.constant 0 : index
    %get3A_26 = arith.constant 0 : index
    %get3A_27 = vector.load %arg4[%get3A_25, %get3A_26] : memref<1x128xf32, #tpu.memory_space<vmem>>, vector<1x128xf32>
    %add3A_28 = vector.broadcast %get3A_27 : vector<1x128xf32> to vector<2000x128xf32>
    %add3A_29 = arith.addf %mul3A_24, %add3A_28 : vector<2000x128xf32>
    %max3A = arith.constant 0.000000e+00 : f32
    %max3A_30 = vector.broadcast %max3A : f32 to vector<2000x128xf32>
    %max3A_31 = arith.maximumf %add3A_29, %max3A_30 : vector<2000x128xf32>
    %swap3A = arith.constant 0 : index
    %swap3A_32 = arith.constant 0 : index
    %swap3A_33 = vector.load %arg5[%swap3A, %swap3A_32] : memref<2000x128xf32, #tpu.memory_space<vmem>>, vector<2000x128xf32>
    tpu.vector_store %arg5[%swap3A, %swap3A_32], %max3A_31 {strides = array<i32>} : memref<2000x128xf32, #tpu.memory_space<vmem>>, vector<2000x128xf32>,
    return
  }
  func.func @transform_0(%arg0: i32) -> (i32, i32, i32) {
    %c0_i32 = arith.constant 0 : i32
    %c0_i32_0 = arith.constant 0 : i32
    %c0_i32_1 = arith.constant 0 : i32
    return %c0_i32, %arg0, %c0_i32_0 : i32, i32, i32
  }
  func.func @transform_1(%arg0: i32) -> (i32, i32) {
    %c0_i32 = arith.constant 0 : i32
    %c0_i32_0 = arith.constant 0 : i32
    return %arg0, %c0_i32 : i32, i32
  }
  func.func @transform_2(%arg0: i32) -> (i32, i32, i32, i32) {
    %c0_i32 = arith.constant 0 : i32
    %c0_i32_0 = arith.constant 0 : i32
    %c0_i32_1 = arith.constant 0 : i32
    %c0_i32_2 = arith.constant 0 : i32
    return %c0_i32, %c0_i32_0, %arg0, %c0_i32_1 : i32, i32, i32, i32
  }
  func.func @transform_3(%arg0: i32) -> (i32, i32) {
    %c0_i32 = arith.constant 0 : i32
    %c0_i32_0 = arith.constant 0 : i32
    %c0_i32_1 = arith.constant 0 : i32
    return %c0_i32, %c0_i32_0 : i32, i32
  }
  func.func @transform_4(%arg0: i32) -> (i32, i32) {
    %c0_i32 = arith.constant 0 : i32
    %c0_i32_0 = arith.constant 0 : i32
    return %arg0, %c0_i32 : i32, i32
  }
}

</mosaic_0001>

<sc_bundles>
// kernel: kernel.11.cloned.1.call-start
scs
__scs_entry_jumppad:
0x0: {  	(pc) =	sbr.rel $0x88, $3  }
0x1: {  	(tag) =	ssettag $0x0;
	lr =	simm.s32 $0x1  }
0x2: {  	[smem:$0x3F9B] =	sst lr;
	_ =	strace $0xD0000000  }
0x3: {  	_ = 	snop  }
0x4: {  	_ = 	snop  }
0x5: {  	_ = 	snop  }
0x6: {  	_ = 	snop  }
0x7: {  	_ = 	snop  }
__scs_overlays_trampoline_lowered:
0x8: {  	[smem:$0x3FAA] =	sst s0  }
0x9: {  	[smem:$0x3FAB] =	sst s1  }
0xa: {  	[smem:$0x3FAC] =	sst s2  }
0xb: {  	[smem:$0x3FAD] =	sst s3  }
0xc: {  	[smem:$0x3FAE] =	sst s4  }
0xd: {  	[smem:$0x3FAF] =	sst s5  }
0xe: {  	[smem:$0x3FB0] =	sst s6  }
0xf: {  	[smem:$0x3FB1] =	sst s7  }
0x10: {  	[smem:$0x3FB2] =	sst s8  }
0x11: {  	[smem:$0x3FB3] =	sst s9;
	s0 =	simm.s32 @!p0 $0x0  }
0x12: {  	s1 =	sld [smem:$0x3F99];
	s0 =	simm.s32 @p0 $0x1  }
0x13: {  	[smem:$0x3FB4] =	sst s0;
	s0 =	simm.s32 @!p1 $0x0  }
0x14: {  	s2 =	sld [smem:$0x3F98];
	s0 =	simm.s32 @p1 $0x1  }
0x15: {  	[smem:$0x3FB5] =	sst s0;
	s0 =	simm.s32 @!p2 $0x0  }
0x16: {  	s3 =	sld [smem:$0x3FDB];
	s0 =	simm.s32 @p2 $0x1  }
0x17: {  	s4 =	simm.s32 $0x1BF5;
	[smem:$0x3FB7] =	sst s0  }
0x18: {  	s0 =	sld [smem:$0x3F9A];
	_ =	swait.ge [sflag:s4], $0x0  }
0x19: {  	s7 =	sld [smem:$0x3F9B]  }
0x1a: {  	s8 =	sadd.s32 $0xFFFFE003, lr  }
0x1b: {  	s9 =	sadd.s32 $0xFFFFFEF7, lr;
	s5 =	simm.s32 $0xFFFFFFFF;
	p2 =	slt.u32 s8, $0xFFFFF086  }
0x1c: {  	p1 =	slt.u32 s9, $0xF7A;
	s5 =	simm.s32 @!p2 $0x0  }
0x1d: {  	s5 =	simm.s32 @p1 $0x1;
	p0 =	seq.s32 s7, s2  }
0x1e: {  	s7 =	smul.u32 @!p0 $0xF7A, s2;
	p2 =	seq.s32 @!p0 s5, $0x0  }
0x1f: {  	s9 =	smul.u32 $0xF7A, s1;
	s8 =	simm.s32 @!p0 $0x1BF5;
	p2 =	por !p2, p0  }
0x20: {  	[sflag:s8] =	ssyncset.s32 @!p0 $0xFFFFF086;
	s6 =	sadd.s32 @!p0 s3, s7;
	s7 =	simm.s32 @!p0 $0x108  }
0x21: {  	s3 =	sadd.s32 s3, s9;
	s6 =	sadd.s32 @!p0 $0x88, s6;
	s7 =	simm.s32 @p2 $0x1082  }
0x22: {  	[simem:s7], [sflag:s8] =	dma.local @!p0 [hbm:s6], $0xF7A  }
0x23: {  	s9 =	sor.u32 $0xD0000000, s2;
	s6 =	simm.s32 $0x108;
	_ =	swait.ge @!p0 [sflag:s8], $0x0  }
0x24: {  	s3 =	sadd.s32 $0x88, s3;
	s6 =	simm.s32 @!p1 $0x1082;
	[sflag:s4] =	ssyncset.s32 $0xFFFFF086  }
0x25: {  	[simem:s6], [sflag:s4] =	dma.local [hbm:s3], $0xF7A  }
0x26: {  	[smem:$0x3F9B] =	sst s1;
	(tag) =	ssettag s2;
	_ =	strace s9  }
0x27: {  	s1 =	sld [smem:$0x3FAB]  }
0x28: {  	s2 =	sld [smem:$0x3FAC]  }
0x29: {  	s4 =	sld [smem:$0x3FAE]  }
0x2a: {  	p0 =	seq.s32 s5, $0x0;
	s5 =	sld [smem:$0x3FAF]  }
0x2b: {  	s6 =	sld [smem:$0x3FB0]  }
0x2c: {  	s7 =	sld [smem:$0x3FB1]  }
0x2d: {  	s3 =	simm.s32 $0x108;
	s8 =	sld [smem:$0x3FB2]  }
0x2e: {  	s3 =	simm.s32 @!p0 $0x1082;
	s9 =	sld [smem:$0x3FB3]  }
0x2f: {  	lr =	sadd.s32 s0, s3;
	s0 =	sld [smem:$0x3FAA]  }
0x30: {  	s3 =	sld [smem:$0x3FAD]  }
0x31: {  	[smem:$0x3FB6] =	sst s10  }
0x32: {  	s10 =	sld [smem:$0x3FB4];
	_ =	sdelay $0x3  }
0x33: {  	p0 =	seq.s32 s10, $0x1;
	s10 =	sld [smem:$0x3FB6];
	_ =	sdelay $0x3  }
0x34: {  	[smem:$0x3FB6] =	sst s10  }
0x35: {  	s10 =	sld [smem:$0x3FB5];
	_ =	sdelay $0x3  }
0x36: {  	p1 =	seq.s32 s10, $0x1;
	s10 =	sld [smem:$0x3FB6];
	_ =	sdelay $0x3  }
0x37: {  	[smem:$0x3FB6] =	sst s10  }
0x38: {  	s10 =	sld [smem:$0x3FB7]  }
0x39: {  	_ = 	snop;
	(pc) =	sbr.ind lr, $3  }
0x3a: {  	_ = 	snop  }
0x3b: {  	_ = 	snop  }
0x3c: {  	p2 =	seq.s32 s10, $0x1;
	s10 =	sld [smem:$0x3FB6]  }
0x3d: {  	_ =	shalt  }
0x3e: {  	_ =	shalt  }
0x3f: {  	_ =	shalt  }
0x40: {  	_ =	shalt  }
0x41: {  	_ =	shalt  }
0x42: {  	_ =	shalt  }
0x43: {  	_ =	shalt  }
0x44: {  	_ =	shalt  }
0x45: {  	_ =	shalt  }
0x46: {  	_ =	shalt  }
0x47: {  	_ =	shalt  }
0x48: {  	_ =	shalt  }
0x49: {  	_ =	shalt  }
0x4a: {  	_ =	shalt  }
0x4b: {  	_ =	shalt  }
0x4c: {  	_ =	shalt  }
0x4d: {  	_ =	shalt  }
0x4e: {  	_ =	shalt  }
0x4f: {  	_ =	shalt  }
0x50: {  	_ =	shalt  }
0x51: {  	_ =	shalt  }
0x52: {  	_ =	shalt  }
0x53: {  	_ =	shalt  }
0x54: {  	_ =	shalt  }
0x55: {  	_ =	shalt  }
0x56: {  	_ =	shalt  }
0x57: {  	_ =	shalt  }
0x58: {  	_ =	shalt  }
0x59: {  	_ =	shalt  }
0x5a: {  	_ =	shalt  }
0x5b: {  	_ =	shalt  }
0x5c: {  	_ =	shalt  }
0x5d: {  	_ =	shalt  }
0x5e: {  	_ =	shalt  }
0x5f: {  	_ =	shalt  }
0x60: {  	_ =	shalt  }
0x61: {  	_ =	shalt  }
0x62: {  	_ =	shalt  }
0x63: {  	_ =	shalt  }
0x64: {  	_ =	shalt  }
0x65: {  	_ =	shalt  }
0x66: {  	_ =	shalt  }
0x67: {  	_ =	shalt  }
0x68: {  	_ =	shalt  }
0x69: {  	_ =	shalt  }
0x6a: {  	_ =	shalt  }
0x6b: {  	_ =	shalt  }
0x6c: {  	_ =	shalt  }
0x6d: {  	_ =	shalt  }
0x6e: {  	_ =	shalt  }
0x6f: {  	_ =	shalt  }
0x70: {  	_ =	shalt  }
0x71: {  	_ =	shalt  }
0x72: {  	_ =	shalt  }
0x73: {  	_ =	shalt  }
0x74: {  	_ =	shalt  }
0x75: {  	_ =	shalt  }
0x76: {  	_ =	shalt  }
0x77: {  	_ =	shalt  }
0x78: {  	_ =	shalt  }
0x79: {  	_ =	shalt  }
0x7a: {  	_ =	shalt  }
0x7b: {  	_ =	shalt  }
0x7c: {  	_ =	shalt  }
0x7d: {  	_ =	shalt  }
0x7e: {  	_ =	shalt  }
0x7f: {  	_ =	shalt  }
0x80: {  	_ =	shalt  }
0x81: {  	_ =	shalt  }
0x82: {  	_ =	shalt  }
0x83: {  	_ =	shalt  }
0x84: {  	_ =	shalt  }
0x85: {  	_ =	shalt  }
0x86: {  	_ =	shalt  }
0x87: {  	_ =	shalt  }
.Lfunc_end0:
.L_simem_size_0:
called_computation.1_lowered:
.L_overlay_start_0:
0x88: {  	s2 =	sld [smem:$0x3FD9]  }
0x89: {  	s3 =	sld [smem:$0x3FFE];
	_ =	sdelay $0x1  }
0x8a: {  	s1 =	srdreg.scid  }
0x8b: {  	s0 =	sand.u32 $0x1, s1  }
0x8c: {  	s17 =	sshll.u32 s0, $0xA;
	s2 =	sadd.s32 s3, s2  }
0x8d: {  	s2 =	sadd.s32 s2, s17  }
0x8e: {  	[smem:$0x3FC2] =	sst s2  }
0x8f: {  	_ = 	snop  }
0x90: {  	s2 =	sld [smem:$0x3FD0];
	(tm) =	ssettm $0x1  }
0x91: {  	s18 =	sld [smem:$0x3FFB];
	_ =	sdelay $0x3  }
0x92: {  	_ =	strace s18  }
0x93: {  	s3 =	sld [smem:$0x3FFC];
	_ =	sdelay $0x3  }
0x94: {  	_ =	strace s3  }
0x95: {  	s3 =	sld [smem:$0x3FFD];
	_ =	sdelay $0x3  }
0x96: {  	_ =	strace s3  }
0x97: {  	_ =	strace $0x8FFFFFFF  }
0x98: {  	s19 =	sld [smem:$0x3FDB];
	_ =	sdelay $0x1  }
0x99: {  	s4 =	simm.s32 $_scs_section_size  }
0x9a: {  	s5 =	simm.s32 $_size__tile_overlayer_lowered;
	s6 =	simm.s32 $_tile_overlayer_lowered  }
0x9b: {  	s22 =	simm.s32 $0x1BFF;
	s21 =	sshll.u32 s6, $0x1;
	s3 =	sadd.s32 s4, s19  }
0x9c: {  	s7 =	simm.s32 $0x0;
	s20 =	sshll.u32 s5, $0x1;
	s5 =	sadd.s32 s21, s3  }
0x9d: {  	[timem:s7], [sflag:s22] =	dma.local [hbm:s5], s20  }
0x9e: {  	_ =	swait.ge [sflag:s22], s20  }
0x9f: {  	s4 =	ssub.s32 $0x0, s20;
	[sflag:s22] =	ssyncset.done $0x0  }
0xa0: {  	[sflag:s22] =	ssyncadd.s32 s4;
	_ =	sdelay $0x1  }
0xa1: {  	s23 =	simm.s32 $0x1B8B  }
0xa2: {  	_ =	swait.ge [sflag:s23], $0x1  }
0xa3: {  	[sflag:s23] =	ssyncset.done $0x0  }
0xa4: {  	s25 =	simm.s32 $0x1B8E;
	s24 =	sld [smem:$0x3FFE];
	[sflag:s23] =	ssyncadd.s32 $0xFFFFFFFF  }
0xa5: {  	s26 =	simm.s32 $execute0_lowered;
	[smem:$0x3FD2] =	sst s25  }
0xa6: {  	s5 =	sshll.u32 s26, $0x1;
	_ =	strace $0x80000049;
	[dreg:$0x1] =	wrdreg $0xFFFFFFFF  }
0xa7: {  	s28 =	simm.s32 $_size_execute0_lowered;
	s3 =	sadd.s32 s3, s5;
	[dreg:$0x0] =	wrdreg $0x0  }
0xa8: {  	s5 =	sshll.u32 s28, $0x1;
	[dreg:$0x2] =	wrdreg s3  }
0xa9: {  	[dreg:$0x3] =	wrdreg s5  }
0xaa: {  	[dreg:$0x4] =	wrdreg $0xC0  }
0xab: {  	_ =	task [dreg:s7], $0x5FFFF  }
0xac: {  	[dreg:$0x1] =	wrdreg $0xFFFFFFFF  }
0xad: {  	[dreg:$0x0] =	wrdreg $0x60  }
0xae: {  	[dreg:$0x2] =	wrdreg s24  }
0xaf: {  	[dreg:$0x3] =	wrdreg s2  }
0xb0: {  	[dreg:$0x4] =	wrdreg $0x81000  }
0xb1: {  	[dreg:$0x5] =	wrdreg $0x9  }
0xb2: {  	_ =	task.clear_ibuf [dreg:s7], $0x6FFFF;
	_ =	strace $0x90000049  }
0xb3: {  	s29 =	simm.s32 $0x9;
	_ =	strace $0x8000004B  }
0xb4: {  	_ =	swait.ge [sflag:s29], $0x1  }
0xb5: {  	[sflag:s29] =	ssyncadd.s32 $0xFFFFFFFF  }
0xb6: {  	_ =	strace $0x9000004B  }
0xb7: {  	_ =	sfence  }
0xb8: {  	s30 =	sld [smem:$0x0];
	_ =	sdelay $0x2  }
0xb9: {  	s31 =	sshll.u32 s1, $0xD;
	s1 =	sshrl.u32 s1, $0x2  }
0xba: {  	s3 =	sand.u32 $0x4000, s31;
	s1 =	sadd.s32 s1, s30  }
0xbb: {  	s0 =	sor.u32 s3, s0;
	s1 =	sshll.u32 s1, $0x11  }
0xbc: {  	s0 =	sor.u32 s1, s0  }
0xbd: {  	s0 =	sadd.s32 $0x8F2B, s0  }
0xbe: {  	[sflag:s0] =	ssyncadd.remote.s32 $0x1  }
0xbf: {  	_ =	sfence.sel $0xFFFF  }
0xc0: {  	[dreg:$0x0] =	wrdreg $0xFFFFFFFF;
	(pc) =	sbr.abs _section_cstart, $3  }
0xc1: {  	[dreg:$0x1] =	wrdreg $0xFFFFFFFF  }
0xc2: {  	_ =	task.clear_ibuf [dreg:s7], $0x2FFFF;
	_ =	strace $0x9FFFFFFF  }
0xc3: {  	(tm) =	ssettm $0x7FFFFFFF  }
tec
execute0_lowered:
.L_overlay_start_1:
0x0: {  	(tag) =	ssettag $0x1  }
0x1: {  	s5 =	rddreg [dreg:$0x0]  }
0x2: {  	s2 =	rddreg [dreg:$0x1]  }
0x3: {  	s0 =	srdreg.scid;
	s3 =	rddreg [dreg:$0x2]  }
0x4: {  	s1 =	rddreg [dreg:$0x3];
	s6 =	sand.u32 $0x1, s0  }
0x5: {  	s0 =	stileid.u32;
	s7 =	smul.u32 $0x27800, s6  }
0x6: {  	s4 =	simm.s32 $0x0;
	s14 =	simm.s32 $0x4100;
	s8 =	smul.u32 $0x2780, s0  }
0x7: {  	s15 =	simm.s32 $0x2;
	s16 =	simm.s32 $0x80;
	s9 =	smul.u32 $0x14000, s0  }
0x8: {  	s17 =	simm.s32 $0x100;
	s18 =	simm.s32 $0x1;
	s29 =	smul.u32 $0x140000, s6  }
0x9: {  	[smem:$0x7FF] =	sst s4;
	s10 =	smul.u32 $0x50000, s0;
	s6 =	ssub.s32 $0x2, s6  }
0xa: {  	s19 =	simm.s32 $0x0;
	_ =	strace $0x8000004A;
	s31 =	sshrl.u32 s6, $0x1  }
0xb: {  	s7 =	sadd.s32 s8, s7;
	s30 =	sadd.s32 s9, s29;
	s10 =	sshrl.u32 s10, $0x2  }
0xc: {  	s12 =	ssub.s32 s6, s31;
	s7 =	sshrl.u32 s7, $0x3;
	s10 =	sadd.s32 s10, s3  }
0xd: {  	s13 =	sadd.s32 s7, s5;
	s7 =	sshrl.u32 s30, $0x3;
	s6 =	sadd.s32 $0x4000, s10  }
0xe: {  	s8 =	sadd.s32 $0xC000, s10;
	s11 =	sadd.s32 s7, s5;
	s5 =	sadd.s32 s9, s3  }
0xf: {  	s7 =	sadd.s32 $0x8000, s10;
	s9 =	sadd.s32 $0x10000, s10;
	s10 =	sadd.s32 $0xB7200, s11  }
0x10: {  	v0 =	vimm.f32 $0.0e+00;
	s11 =	smax.u32 s12, $0x1;
	s12 =	sadd.s32 $0x3600, s13;
	s13 =	sadd.s32 $0xD400, s13  }
.LBB2_1:
0x11: {  	s20 =	sand.u32 $0xFE00, s4  }
0x12: {  	s21 =	sand.u32 $0x70, s4;
	s22 =	sshrl.u32 s20, $0x2  }
0x13: {  	s20 =	simm.s32 $0x40;
	s22 =	sor.u32 s21, s22;
	s21 =	simm.s32 $0x0  }
.LBB2_2:
0x14: {  	p0 =	sne.s32 s20, $0xFFC0  }
0x15: {  	[tilespmem:s22+$0x4100] =	vst v0;
	s21 =	sadd.s32 $0x10, s21;
	s22 =	smov.u32 s20;
	s20 =	sadd.s32 $0x40, s20  }
.Ltmp0:
0x16: {  	(pc) =	sbr.rel @p0 .LBB2_2-.Ltmp0, $4  }
0x17: {  	_ = 	snop  }
0x18: {  	s22 =	sand.u32 $0xFE00, s22  }
0x19: {  	s23 =	sand.u32 $0x70, s21;
	s22 =	sshrl.u32 s22, $0x2  }
0x1a: {  	s22 =	sor.u32 s23, s22  }
0x1b: {  	[tilespmem:s22+$0x4100] =	vst v0  }
0x1c: {  	[spmem:s5] =	stream.linear.scatter [tilespmem:s14], [sflag:$0x2], $0x4000, $0x38;
	[tilespmem:$0x1C100] =	vst v63  }
0x1d: {  	_ =	swait.ge [sflag:s15], $0x4000  }
0x1e: {  	[sflag:s15] =	ssyncset.done $0x0  }
0x1f: {  	[sflag:s15] =	ssyncadd.s32 $0xFFFFC000  }
0x20: {  	[spmem:s6] =	stream.linear.scatter [tilespmem:s14], [sflag:$0x2], $0x4000, $0x38;
	[tilespmem:$0x1C100] =	vst v63  }
0x21: {  	_ =	swait.ge [sflag:s15], $0x4000  }
0x22: {  	[sflag:s15] =	ssyncset.done $0x0  }
0x23: {  	[sflag:s15] =	ssyncadd.s32 $0xFFFFC000  }
0x24: {  	[spmem:s7] =	stream.linear.scatter [tilespmem:s14], [sflag:$0x2], $0x4000, $0x38;
	[tilespmem:$0x1C100] =	vst v63  }
0x25: {  	_ =	swait.ge [sflag:s15], $0x4000  }
0x26: {  	[sflag:s15] =	ssyncset.done $0x0  }
0x27: {  	[sflag:s15] =	ssyncadd.s32 $0xFFFFC000  }
0x28: {  	[spmem:s8] =	stream.linear.scatter [tilespmem:s14], [sflag:$0x2], $0x4000, $0x38;
	[tilespmem:$0x1C100] =	vst v63  }
0x29: {  	_ =	swait.ge [sflag:s15], $0x4000  }
0x2a: {  	[sflag:s15] =	ssyncset.done $0x0  }
0x2b: {  	[sflag:s15] =	ssyncadd.s32 $0xFFFFC000  }
0x2c: {  	[spmem:s9] =	stream.linear.scatter [tilespmem:s14], [sflag:$0x2], $0x4000, $0x38;
	[tilespmem:$0x1C100] =	vst v63  }
0x2d: {  	_ =	swait.ge [sflag:s15], $0x4000  }
0x2e: {  	[sflag:s15] =	ssyncset.done $0x0  }
0x2f: {  	[sflag:s15] =	ssyncadd.s32 $0xFFFFC000  }
0x30: {  	s20 =	sadd.s32 $0x0, s13;
	[bflag:$0x0] =	sbarrier.arrive $0xFFFF  }
0x31: {  	[tilespmem:s4], [sflag:$0x2] =	stream.linear.gather [hbm4b:s20+s4], $0x80, $0x38;
	[tilespmem:$0x1C100] =	vst v63  }
0x32: {  	_ =	swait.ge [sflag:s15], $0x80  }
0x33: {  	[sflag:s15] =	ssyncset.done $0x0  }
0x34: {  	s31 =	sadd.s32 $0x0, s12;
	[sflag:s15] =	ssyncadd.s32 $0xFFFFFF80  }
0x35: {  	[tilespmem:s16], [sflag:$0x2] =	stream.linear.gather [hbm4b:s31+s4], $0x80, $0x38;
	[tilespmem:$0x1C100] =	vst v63  }
0x36: {  	_ =	swait.ge [sflag:s15], $0x80  }
0x37: {  	[sflag:s15] =	ssyncset.done $0x0  }
0x38: {  	[sflag:s15] =	ssyncadd.s32 $0xFFFFFF80  }
0x39: {  	[tilespmem:s17], [sflag:$0x1] =	stream.indirect.gather [hbm4b:s2+s16], $0x80, s4, s16, $0xb8;
	[tilespmem:$0x1C100] =	vst v63  }
0x3a: {  	_ =	swait.ge [sflag:s18], $0x4000  }
0x3b: {  	[sflag:s18] =	ssyncset.done $0x0  }
0x3c: {  	[sflag:s18] =	ssyncadd.s32 $0xFFFFC000  }
0x3d: {  	[spmem:s3] =	stream.indirect.scatter.add.f32 [tilespmem:s17], [sflag:$0x2], $0x80, s16, s16, $0xb8;
	[tilespmem:$0x1C100] =	vst v63  }
0x3e: {  	_ =	swait.ge [sflag:s15], $0x4000  }
0x3f: {  	s21 =	simm.s32 $0x20;
	s20 =	simm.s32 $0x10;
	[sflag:s15] =	ssyncset.done $0x0  }
.LBB2_4:
0x40: {  	s22 =	sadd.s32 s20, s13  }
0x41: {  	[sflag:s15] =	ssyncadd.s32 $0xFFFFC000;
	s23 =	smov.u32 s21;
	s24 =	sadd.s32 $0x10, s21  }
0x42: {  	[tilespmem:s4], [sflag:$0x2] =	stream.linear.gather [hbm4b:s22+s4], $0x80, $0x38;
	[tilespmem:$0x1C100] =	vst v63  }
0x43: {  	p0 =	sne.s32 s21, $0x4E0;
	_ =	swait.ge [sflag:s15], $0x80  }
0x44: {  	[sflag:s15] =	ssyncset.done $0x0  }
0x45: {  	s21 =	sadd.s32 s20, s12;
	s20 =	smov.u32 s23;
	[sflag:s15] =	ssyncadd.s32 $0xFFFFFF80  }
0x46: {  	[tilespmem:s16], [sflag:$0x2] =	stream.linear.gather [hbm4b:s21+s4], $0x80, $0x38;
	[tilespmem:$0x1C100] =	vst v63  }
0x47: {  	_ =	swait.ge [sflag:s15], $0x80  }
0x48: {  	[sflag:s15] =	ssyncset.done $0x0  }
0x49: {  	[sflag:s15] =	ssyncadd.s32 $0xFFFFFF80  }
0x4a: {  	[tilespmem:s17], [sflag:$0x1] =	stream.indirect.gather [hbm4b:s2+s16], $0x80, s4, s16, $0xb8;
	[tilespmem:$0x1C100] =	vst v63  }
0x4b: {  	_ =	swait.ge [sflag:s18], $0x4000  }
.Ltmp1:
0x4c: {  	[sflag:s18] =	ssyncset.done $0x0;
	(pc) =	sbr.rel @p0 .LBB2_4-.Ltmp1, $4  }
0x4d: {  	[sflag:s18] =	ssyncadd.s32 $0xFFFFC000  }
0x4e: {  	[spmem:s3] =	stream.indirect.scatter.add.f32 [tilespmem:s17], [sflag:$0x2], $0x80, s16, s16, $0xb8;
	[tilespmem:$0x1C100] =	vst v63  }
0x4f: {  	_ =	swait.ge [sflag:s15], $0x4000  }
0x50: {  	s21 =	smov.u32 s24;
	[sflag:s15] =	ssyncset.done $0x0  }
0x51: {  	s21 =	sadd.s32 s20, s13;
	[sflag:s15] =	ssyncadd.s32 $0xFFFFC000  }
0x52: {  	[tilespmem:s4], [sflag:$0x2] =	stream.linear.gather [hbm4b:s21+s4], $0x80, $0x38;
	[tilespmem:$0x1C100] =	vst v63  }
0x53: {  	_ =	swait.ge [sflag:s15], $0x80  }
0x54: {  	[sflag:s15] =	ssyncset.done $0x0  }
0x55: {  	s29 =	sadd.s32 s20, s12;
	[sflag:s15] =	ssyncadd.s32 $0xFFFFFF80  }
0x56: {  	[tilespmem:s16], [sflag:$0x2] =	stream.linear.gather [hbm4b:s29+s4], $0x80, $0x38;
	[tilespmem:$0x1C100] =	vst v63  }
0x57: {  	_ =	swait.ge [sflag:s15], $0x80  }
0x58: {  	[sflag:s15] =	ssyncset.done $0x0  }
0x59: {  	[sflag:s15] =	ssyncadd.s32 $0xFFFFFF80  }
0x5a: {  	[tilespmem:s17], [sflag:$0x1] =	stream.indirect.gather [hbm4b:s2+s16], $0x80, s4, s16, $0xb8;
	[tilespmem:$0x1C100] =	vst v63  }
0x5b: {  	_ =	swait.ge [sflag:s18], $0x4000  }
0x5c: {  	[sflag:s18] =	ssyncset.done $0x0  }
0x5d: {  	[sflag:s18] =	ssyncadd.s32 $0xFFFFC000  }
0x5e: {  	[spmem:s3] =	stream.indirect.scatter.add.f32 [tilespmem:s17], [sflag:$0x2], $0x80, s16, s16, $0xb8;
	[tilespmem:$0x1C100] =	vst v63  }
0x5f: {  	_ =	swait.ge [sflag:s15], $0x4000  }
0x60: {  	s30 =	sshll.u32 s0, $0x6;
	s19 =	sadd.s32 $0x1, s19;
	[sflag:s15] =	ssyncset.done $0x0  }
0x61: {  	s31 =	sshrl.u32 s5, $0x3;
	p0 =	sne.s32 s19, s11;
	[sflag:s15] =	ssyncadd.s32 $0xFFFFC000  }
.Ltmp2:
0x62: {  	s20 =	sor.u32 $0x1C02, s30;
	[bflag:$0x0] =	sbarrier.arrive $0xFFFF;
	(pc) =	sbr.rel @p0 .LBB2_1-.Ltmp2, $4  }
0x63: {  	[hbm:s10], [sflag:s20] =	dma.local [spmem:s31], $0x2800  }
0x64: {  	_ =	swait.ge [sflag:s15], $0x2800  }
0x65: {  	[sflag:s15] =	ssyncset.done $0x0  }
0x66: {  	[sflag:s15] =	ssyncadd.s32 $0xFFFFD800  }
0x67: {  	_ =	sfence.sel $0x180000  }
0x68: {  	[bflag:$0x0] =	sbarrier.arrive $0xFFFF  }
0x69: {  	p0 =	sne.s32 s0, $0x0;
	_ =	strace $0x9000004A  }
0x6a: {  	s0 =	sadd.s32 @!p0 $0x100000, s1;
	[bflag:$0x2] =	sbarrier.arrive $0xFFFF  }
0x6b: {  	[sflag:s0] =	ssyncadd.tile.s32 @!p0 $0x1;
	_ =	shalt  }
.Lfunc_end2:
_tile_overlayer_lowered:
.L_overlay_start_2:
0x6c: {  	(tag) =	ssettag $0x2  }
0x6d: {  	s0 =	rddreg [dreg:$0x0];
	s2 =	stileid.u32  }
0x6e: {  	s1 =	rddreg [dreg:$0x1];
	p0 =	sne.s32 s2, $0x0  }
0x6f: {  	s3 =	rddreg [dreg:$0x2];
	[bflag:$0x3] =	sbarrier.arrive $0xFFFF;
	s2 =	simm.s32 @!p0 $0x1C02  }
0x70: {  	[timem:s3], [sflag:s2] =	dma.local @!p0 [hbm:s0], s1  }
0x71: {  	s0 =	simm.s32 @!p0 $0x2  }
0x72: {  	_ =	swait.ge @!p0 [sflag:s0], s1  }
0x73: {  	s1 =	ssub.s32 @!p0 $0x0, s1;
	[sflag:s0] =	ssyncset.done @!p0 $0x0  }
0x74: {  	[sflag:s0] =	ssyncadd.s32 @!p0 s1  }
0x75: {  	[bflag:$0x3] =	sbarrier.arrive $0xFFFF  }
0x76: {  	_ =	shalt  }

// kernel: kernel.14.cloned.1.call-start
scs
__scs_entry_jumppad:
0x0: {  	(pc) =	sbr.rel $0x88, $3  }
0x1: {  	(tag) =	ssettag $0x0;
	lr =	simm.s32 $0x1  }
0x2: {  	[smem:$0x3F9B] =	sst lr;
	_ =	strace $0xD0000000  }
0x3: {  	_ = 	snop  }
0x4: {  	_ = 	snop  }
0x5: {  	_ = 	snop  }
0x6: {  	_ = 	snop  }
0x7: {  	_ = 	snop  }
__scs_overlays_trampoline_lowered:
0x8: {  	[smem:$0x3FAA] =	sst s0  }
0x9: {  	[smem:$0x3FAB] =	sst s1  }
0xa: {  	[smem:$0x3FAC] =	sst s2  }
0xb: {  	[smem:$0x3FAD] =	sst s3  }
0xc: {  	[smem:$0x3FAE] =	sst s4  }
0xd: {  	[smem:$0x3FAF] =	sst s5  }
0xe: {  	[smem:$0x3FB0] =	sst s6  }
0xf: {  	[smem:$0x3FB1] =	sst s7  }
0x10: {  	[smem:$0x3FB2] =	sst s8  }
0x11: {  	[smem:$0x3FB3] =	sst s9;
	s0 =	simm.s32 @!p0 $0x0  }
0x12: {  	s1 =	sld [smem:$0x3F99];
	s0 =	simm.s32 @p0 $0x1  }
0x13: {  	[smem:$0x3FB4] =	sst s0;
	s0 =	simm.s32 @!p1 $0x0  }
0x14: {  	s2 =	sld [smem:$0x3F98];
	s0 =	simm.s32 @p1 $0x1  }
0x15: {  	[smem:$0x3FB5] =	sst s0;
	s0 =	simm.s32 @!p2 $0x0  }
0x16: {  	s3 =	sld [smem:$0x3FDB];
	s0 =	simm.s32 @p2 $0x1  }
0x17: {  	s4 =	simm.s32 $0x1BF5;
	[smem:$0x3FB7] =	sst s0  }
0x18: {  	s0 =	sld [smem:$0x3F9A];
	_ =	swait.ge [sflag:s4], $0x0  }
0x19: {  	s7 =	sld [smem:$0x3F9B]  }
0x1a: {  	s8 =	sadd.s32 $0xFFFFE003, lr  }
0x1b: {  	s9 =	sadd.s32 $0xFFFFFEF7, lr;
	s5 =	simm.s32 $0xFFFFFFFF;
	p2 =	slt.u32 s8, $0xFFFFF086  }
0x1c: {  	p1 =	slt.u32 s9, $0xF7A;
	s5 =	simm.s32 @!p2 $0x0  }
0x1d: {  	s5 =	simm.s32 @p1 $0x1;
	p0 =	seq.s32 s7, s2  }
0x1e: {  	s7 =	smul.u32 @!p0 $0xF7A, s2;
	p2 =	seq.s32 @!p0 s5, $0x0  }
0x1f: {  	s9 =	smul.u32 $0xF7A, s1;
	s8 =	simm.s32 @!p0 $0x1BF5;
	p2 =	por !p2, p0  }
0x20: {  	[sflag:s8] =	ssyncset.s32 @!p0 $0xFFFFF086;
	s6 =	sadd.s32 @!p0 s3, s7;
	s7 =	simm.s32 @!p0 $0x108  }
0x21: {  	s3 =	sadd.s32 s3, s9;
	s6 =	sadd.s32 @!p0 $0x88, s6;
	s7 =	simm.s32 @p2 $0x1082  }
0x22: {  	[simem:s7], [sflag:s8] =	dma.local @!p0 [hbm:s6], $0xF7A  }
0x23: {  	s9 =	sor.u32 $0xD0000000, s2;
	s6 =	simm.s32 $0x108;
	_ =	swait.ge @!p0 [sflag:s8], $0x0  }
0x24: {  	s3 =	sadd.s32 $0x88, s3;
	s6 =	simm.s32 @!p1 $0x1082;
	[sflag:s4] =	ssyncset.s32 $0xFFFFF086  }
0x25: {  	[simem:s6], [sflag:s4] =	dma.local [hbm:s3], $0xF7A  }
0x26: {  	[smem:$0x3F9B] =	sst s1;
	(tag) =	ssettag s2;
	_ =	strace s9  }
0x27: {  	s1 =	sld [smem:$0x3FAB]  }
0x28: {  	s2 =	sld [smem:$0x3FAC]  }
0x29: {  	s4 =	sld [smem:$0x3FAE]  }
0x2a: {  	p0 =	seq.s32 s5, $0x0;
	s5 =	sld [smem:$0x3FAF]  }
0x2b: {  	s6 =	sld [smem:$0x3FB0]  }
0x2c: {  	s7 =	sld [smem:$0x3FB1]  }
0x2d: {  	s3 =	simm.s32 $0x108;
	s8 =	sld [smem:$0x3FB2]  }
0x2e: {  	s3 =	simm.s32 @!p0 $0x1082;
	s9 =	sld [smem:$0x3FB3]  }
0x2f: {  	lr =	sadd.s32 s0, s3;
	s0 =	sld [smem:$0x3FAA]  }
0x30: {  	s3 =	sld [smem:$0x3FAD]  }
0x31: {  	[smem:$0x3FB6] =	sst s10  }
0x32: {  	s10 =	sld [smem:$0x3FB4];
	_ =	sdelay $0x3  }
0x33: {  	p0 =	seq.s32 s10, $0x1;
	s10 =	sld [smem:$0x3FB6];
	_ =	sdelay $0x3  }
0x34: {  	[smem:$0x3FB6] =	sst s10  }
0x35: {  	s10 =	sld [smem:$0x3FB5];
	_ =	sdelay $0x3  }
0x36: {  	p1 =	seq.s32 s10, $0x1;
	s10 =	sld [smem:$0x3FB6];
	_ =	sdelay $0x3  }
0x37: {  	[smem:$0x3FB6] =	sst s10  }
0x38: {  	s10 =	sld [smem:$0x3FB7]  }
0x39: {  	_ = 	snop;
	(pc) =	sbr.ind lr, $3  }
0x3a: {  	_ = 	snop  }
0x3b: {  	_ = 	snop  }
0x3c: {  	p2 =	seq.s32 s10, $0x1;
	s10 =	sld [smem:$0x3FB6]  }
0x3d: {  	_ =	shalt  }
0x3e: {  	_ =	shalt  }
0x3f: {  	_ =	shalt  }
0x40: {  	_ =	shalt  }
0x41: {  	_ =	shalt  }
0x42: {  	_ =	shalt  }
0x43: {  	_ =	shalt  }
0x44: {  	_ =	shalt  }
0x45: {  	_ =	shalt  }
0x46: {  	_ =	shalt  }
0x47: {  	_ =	shalt  }
0x48: {  	_ =	shalt  }
0x49: {  	_ =	shalt  }
0x4a: {  	_ =	shalt  }
0x4b: {  	_ =	shalt  }
0x4c: {  	_ =	shalt  }
0x4d: {  	_ =	shalt  }
0x4e: {  	_ =	shalt  }
0x4f: {  	_ =	shalt  }
0x50: {  	_ =	shalt  }
0x51: {  	_ =	shalt  }
0x52: {  	_ =	shalt  }
0x53: {  	_ =	shalt  }
0x54: {  	_ =	shalt  }
0x55: {  	_ =	shalt  }
0x56: {  	_ =	shalt  }
0x57: {  	_ =	shalt  }
0x58: {  	_ =	shalt  }
0x59: {  	_ =	shalt  }
0x5a: {  	_ =	shalt  }
0x5b: {  	_ =	shalt  }
0x5c: {  	_ =	shalt  }
0x5d: {  	_ =	shalt  }
0x5e: {  	_ =	shalt  }
0x5f: {  	_ =	shalt  }
0x60: {  	_ =	shalt  }
0x61: {  	_ =	shalt  }
0x62: {  	_ =	shalt  }
0x63: {  	_ =	shalt  }
0x64: {  	_ =	shalt  }
0x65: {  	_ =	shalt  }
0x66: {  	_ =	shalt  }
0x67: {  	_ =	shalt  }
0x68: {  	_ =	shalt  }
0x69: {  	_ =	shalt  }
0x6a: {  	_ =	shalt  }
0x6b: {  	_ =	shalt  }
0x6c: {  	_ =	shalt  }
0x6d: {  	_ =	shalt  }
0x6e: {  	_ =	shalt  }
0x6f: {  	_ =	shalt  }
0x70: {  	_ =	shalt  }
0x71: {  	_ =	shalt  }
0x72: {  	_ =	shalt  }
0x73: {  	_ =	shalt  }
0x74: {  	_ =	shalt  }
0x75: {  	_ =	shalt  }
0x76: {  	_ =	shalt  }
0x77: {  	_ =	shalt  }
0x78: {  	_ =	shalt  }
0x79: {  	_ =	shalt  }
0x7a: {  	_ =	shalt  }
0x7b: {  	_ =	shalt  }
0x7c: {  	_ =	shalt  }
0x7d: {  	_ =	shalt  }
0x7e: {  	_ =	shalt  }
0x7f: {  	_ =	shalt  }
0x80: {  	_ =	shalt  }
0x81: {  	_ =	shalt  }
0x82: {  	_ =	shalt  }
0x83: {  	_ =	shalt  }
0x84: {  	_ =	shalt  }
0x85: {  	_ =	shalt  }
0x86: {  	_ =	shalt  }
0x87: {  	_ =	shalt  }
.Lfunc_end0:
.L_simem_size_0:
called_computation.2_lowered:
.L_overlay_start_0:
0x88: {  	s2 =	sld [smem:$0x3FD9]  }
0x89: {  	s3 =	sld [smem:$0x3FFE];
	_ =	sdelay $0x1  }
0x8a: {  	s1 =	srdreg.scid  }
0x8b: {  	s0 =	sand.u32 $0x1, s1  }
0x8c: {  	s17 =	sshll.u32 s0, $0xA;
	s2 =	sadd.s32 s3, s2  }
0x8d: {  	s2 =	sadd.s32 s2, s17  }
0x8e: {  	[smem:$0x3FC2] =	sst s2  }
0x8f: {  	_ = 	snop  }
0x90: {  	s2 =	sld [smem:$0x3FD0];
	(tm) =	ssettm $0x1  }
0x91: {  	s18 =	sld [smem:$0x3FFB];
	_ =	sdelay $0x3  }
0x92: {  	_ =	strace s18  }
0x93: {  	s3 =	sld [smem:$0x3FFC];
	_ =	sdelay $0x3  }
0x94: {  	_ =	strace s3  }
0x95: {  	s3 =	sld [smem:$0x3FFD];
	_ =	sdelay $0x3  }
0x96: {  	_ =	strace s3  }
0x97: {  	_ =	strace $0x8FFFFFFF  }
0x98: {  	s19 =	sld [smem:$0x3FDB];
	_ =	sdelay $0x1  }
0x99: {  	s4 =	simm.s32 $_scs_section_size  }
0x9a: {  	s5 =	simm.s32 $_size__tile_overlayer_lowered;
	s6 =	simm.s32 $_tile_overlayer_lowered  }
0x9b: {  	s22 =	simm.s32 $0x1BFF;
	s21 =	sshll.u32 s6, $0x1;
	s3 =	sadd.s32 s4, s19  }
0x9c: {  	s7 =	simm.s32 $0x0;
	s20 =	sshll.u32 s5, $0x1;
	s5 =	sadd.s32 s21, s3  }
0x9d: {  	[timem:s7], [sflag:s22] =	dma.local [hbm:s5], s20  }
0x9e: {  	_ =	swait.ge [sflag:s22], s20  }
0x9f: {  	s4 =	ssub.s32 $0x0, s20;
	[sflag:s22] =	ssyncset.done $0x0  }
0xa0: {  	[sflag:s22] =	ssyncadd.s32 s4;
	_ =	sdelay $0x1  }
0xa1: {  	s23 =	simm.s32 $0x1B8B  }
0xa2: {  	_ =	swait.ge [sflag:s23], $0x1  }
0xa3: {  	[sflag:s23] =	ssyncset.done $0x0  }
0xa4: {  	s25 =	simm.s32 $0x1B8E;
	s24 =	sld [smem:$0x3FFE];
	[sflag:s23] =	ssyncadd.s32 $0xFFFFFFFF  }
0xa5: {  	s26 =	simm.s32 $execute0_lowered;
	[smem:$0x3FD2] =	sst s25  }
0xa6: {  	s5 =	sshll.u32 s26, $0x1;
	_ =	strace $0x8000004C;
	[dreg:$0x1] =	wrdreg $0xFFFFFFFF  }
0xa7: {  	s28 =	simm.s32 $_size_execute0_lowered;
	s3 =	sadd.s32 s3, s5;
	[dreg:$0x0] =	wrdreg $0x0  }
0xa8: {  	s5 =	sshll.u32 s28, $0x1;
	[dreg:$0x2] =	wrdreg s3  }
0xa9: {  	[dreg:$0x3] =	wrdreg s5  }
0xaa: {  	[dreg:$0x4] =	wrdreg $0xC0  }
0xab: {  	_ =	task [dreg:s7], $0x5FFFF  }
0xac: {  	[dreg:$0x1] =	wrdreg $0xFFFFFFFF  }
0xad: {  	[dreg:$0x0] =	wrdreg $0x60  }
0xae: {  	[dreg:$0x2] =	wrdreg s24  }
0xaf: {  	[dreg:$0x3] =	wrdreg s2  }
0xb0: {  	[dreg:$0x4] =	wrdreg $0x81000  }
0xb1: {  	[dreg:$0x5] =	wrdreg $0x9  }
0xb2: {  	_ =	task.clear_ibuf [dreg:s7], $0x6FFFF;
	_ =	strace $0x9000004C  }
0xb3: {  	s29 =	simm.s32 $0x9;
	_ =	strace $0x8000004E  }
0xb4: {  	_ =	swait.ge [sflag:s29], $0x1  }
0xb5: {  	[sflag:s29] =	ssyncadd.s32 $0xFFFFFFFF  }
0xb6: {  	_ =	strace $0x9000004E  }
0xb7: {  	_ =	sfence  }
0xb8: {  	s30 =	sld [smem:$0x0];
	_ =	sdelay $0x2  }
0xb9: {  	s31 =	sshll.u32 s1, $0xD;
	s1 =	sshrl.u32 s1, $0x2  }
0xba: {  	s3 =	sand.u32 $0x4000, s31;
	s1 =	sadd.s32 s1, s30  }
0xbb: {  	s0 =	sor.u32 s3, s0;
	s1 =	sshll.u32 s1, $0x11  }
0xbc: {  	s0 =	sor.u32 s1, s0  }
0xbd: {  	s0 =	sadd.s32 $0x8F2B, s0  }
0xbe: {  	[sflag:s0] =	ssyncadd.remote.s32 $0x1  }
0xbf: {  	_ =	sfence.sel $0xFFFF  }
0xc0: {  	[dreg:$0x0] =	wrdreg $0xFFFFFFFF;
	(pc) =	sbr.abs _section_cstart, $3  }
0xc1: {  	[dreg:$0x1] =	wrdreg $0xFFFFFFFF  }
0xc2: {  	_ =	task.clear_ibuf [dreg:s7], $0x2FFFF;
	_ =	strace $0x9FFFFFFF  }
0xc3: {  	(tm) =	ssettm $0x7FFFFFFF  }
tec
execute0_lowered:
.L_overlay_start_1:
0x0: {  	(tag) =	ssettag $0x1  }
0x1: {  	s5 =	rddreg [dreg:$0x0]  }
0x2: {  	s2 =	rddreg [dreg:$0x1]  }
0x3: {  	s0 =	srdreg.scid;
	s3 =	rddreg [dreg:$0x2]  }
0x4: {  	s1 =	rddreg [dreg:$0x3];
	s6 =	sand.u32 $0x1, s0  }
0x5: {  	s0 =	stileid.u32;
	s7 =	smul.u32 $0x27800, s6  }
0x6: {  	s4 =	simm.s32 $0x0;
	s14 =	simm.s32 $0x4100;
	s8 =	smul.u32 $0x2780, s0  }
0x7: {  	s15 =	simm.s32 $0x2;
	s16 =	simm.s32 $0x80;
	s9 =	smul.u32 $0x14000, s0  }
0x8: {  	s17 =	simm.s32 $0x100;
	s18 =	simm.s32 $0x1;
	s29 =	smul.u32 $0x140000, s6  }
0x9: {  	[smem:$0x7FF] =	sst s4;
	s10 =	smul.u32 $0x50000, s0;
	s6 =	ssub.s32 $0x2, s6  }
0xa: {  	s19 =	simm.s32 $0x0;
	_ =	strace $0x8000004D;
	s31 =	sshrl.u32 s6, $0x1  }
0xb: {  	s7 =	sadd.s32 s8, s7;
	s30 =	sadd.s32 s9, s29;
	s10 =	sshrl.u32 s10, $0x2  }
0xc: {  	s12 =	ssub.s32 s6, s31;
	s7 =	sshrl.u32 s7, $0x3;
	s10 =	sadd.s32 s10, s3  }
0xd: {  	s13 =	sadd.s32 s7, s5;
	s7 =	sshrl.u32 s30, $0x3;
	s6 =	sadd.s32 $0x4000, s10  }
0xe: {  	s8 =	sadd.s32 $0xC000, s10;
	s11 =	sadd.s32 s7, s5;
	s5 =	sadd.s32 s9, s3  }
0xf: {  	s7 =	sadd.s32 $0x8000, s10;
	s9 =	sadd.s32 $0x10000, s10;
	s10 =	sadd.s32 $0xB7200, s11  }
0x10: {  	v0 =	vimm.f32 $0.0e+00;
	s11 =	smax.u32 s12, $0x1;
	s12 =	sadd.s32 $0x3600, s13;
	s13 =	sadd.s32 $0xD400, s13  }
.LBB2_1:
0x11: {  	s20 =	sand.u32 $0xFE00, s4  }
0x12: {  	s21 =	sand.u32 $0x70, s4;
	s22 =	sshrl.u32 s20, $0x2  }
0x13: {  	s20 =	simm.s32 $0x40;
	s22 =	sor.u32 s21, s22;
	s21 =	simm.s32 $0x0  }
.LBB2_2:
0x14: {  	p0 =	sne.s32 s20, $0xFFC0  }
0x15: {  	[tilespmem:s22+$0x4100] =	vst v0;
	s21 =	sadd.s32 $0x10, s21;
	s22 =	smov.u32 s20;
	s20 =	sadd.s32 $0x40, s20  }
.Ltmp0:
0x16: {  	(pc) =	sbr.rel @p0 .LBB2_2-.Ltmp0, $4  }
0x17: {  	_ = 	snop  }
0x18: {  	s22 =	sand.u32 $0xFE00, s22  }
0x19: {  	s23 =	sand.u32 $0x70, s21;
	s22 =	sshrl.u32 s22, $0x2  }
0x1a: {  	s22 =	sor.u32 s23, s22  }
0x1b: {  	[tilespmem:s22+$0x4100] =	vst v0  }
0x1c: {  	[spmem:s5] =	stream.linear.scatter [tilespmem:s14], [sflag:$0x2], $0x4000, $0x38;
	[tilespmem:$0x1C100] =	vst v63  }
0x1d: {  	_ =	swait.ge [sflag:s15], $0x4000  }
0x1e: {  	[sflag:s15] =	ssyncset.done $0x0  }
0x1f: {  	[sflag:s15] =	ssyncadd.s32 $0xFFFFC000  }
0x20: {  	[spmem:s6] =	stream.linear.scatter [tilespmem:s14], [sflag:$0x2], $0x4000, $0x38;
	[tilespmem:$0x1C100] =	vst v63  }
0x21: {  	_ =	swait.ge [sflag:s15], $0x4000  }
0x22: {  	[sflag:s15] =	ssyncset.done $0x0  }
0x23: {  	[sflag:s15] =	ssyncadd.s32 $0xFFFFC000  }
0x24: {  	[spmem:s7] =	stream.linear.scatter [tilespmem:s14], [sflag:$0x2], $0x4000, $0x38;
	[tilespmem:$0x1C100] =	vst v63  }
0x25: {  	_ =	swait.ge [sflag:s15], $0x4000  }
0x26: {  	[sflag:s15] =	ssyncset.done $0x0  }
0x27: {  	[sflag:s15] =	ssyncadd.s32 $0xFFFFC000  }
0x28: {  	[spmem:s8] =	stream.linear.scatter [tilespmem:s14], [sflag:$0x2], $0x4000, $0x38;
	[tilespmem:$0x1C100] =	vst v63  }
0x29: {  	_ =	swait.ge [sflag:s15], $0x4000  }
0x2a: {  	[sflag:s15] =	ssyncset.done $0x0  }
0x2b: {  	[sflag:s15] =	ssyncadd.s32 $0xFFFFC000  }
0x2c: {  	[spmem:s9] =	stream.linear.scatter [tilespmem:s14], [sflag:$0x2], $0x4000, $0x38;
	[tilespmem:$0x1C100] =	vst v63  }
0x2d: {  	_ =	swait.ge [sflag:s15], $0x4000  }
0x2e: {  	[sflag:s15] =	ssyncset.done $0x0  }
0x2f: {  	[sflag:s15] =	ssyncadd.s32 $0xFFFFC000  }
0x30: {  	s20 =	sadd.s32 $0x0, s13;
	[bflag:$0x0] =	sbarrier.arrive $0xFFFF  }
0x31: {  	[tilespmem:s4], [sflag:$0x2] =	stream.linear.gather [hbm4b:s20+s4], $0x80, $0x38;
	[tilespmem:$0x1C100] =	vst v63  }
0x32: {  	_ =	swait.ge [sflag:s15], $0x80  }
0x33: {  	[sflag:s15] =	ssyncset.done $0x0  }
0x34: {  	s31 =	sadd.s32 $0x0, s12;
	[sflag:s15] =	ssyncadd.s32 $0xFFFFFF80  }
0x35: {  	[tilespmem:s16], [sflag:$0x2] =	stream.linear.gather [hbm4b:s31+s4], $0x80, $0x38;
	[tilespmem:$0x1C100] =	vst v63  }
0x36: {  	_ =	swait.ge [sflag:s15], $0x80  }
0x37: {  	[sflag:s15] =	ssyncset.done $0x0  }
0x38: {  	[sflag:s15] =	ssyncadd.s32 $0xFFFFFF80  }
0x39: {  	[tilespmem:s17], [sflag:$0x1] =	stream.indirect.gather [hbm4b:s2+s16], $0x80, s4, s16, $0xb8;
	[tilespmem:$0x1C100] =	vst v63  }
0x3a: {  	_ =	swait.ge [sflag:s18], $0x4000  }
0x3b: {  	[sflag:s18] =	ssyncset.done $0x0  }
0x3c: {  	[sflag:s18] =	ssyncadd.s32 $0xFFFFC000  }
0x3d: {  	[spmem:s3] =	stream.indirect.scatter.add.f32 [tilespmem:s17], [sflag:$0x2], $0x80, s16, s16, $0xb8;
	[tilespmem:$0x1C100] =	vst v63  }
0x3e: {  	_ =	swait.ge [sflag:s15], $0x4000  }
0x3f: {  	s21 =	simm.s32 $0x20;
	s20 =	simm.s32 $0x10;
	[sflag:s15] =	ssyncset.done $0x0  }
.LBB2_4:
0x40: {  	s22 =	sadd.s32 s20, s13  }
0x41: {  	[sflag:s15] =	ssyncadd.s32 $0xFFFFC000;
	s23 =	smov.u32 s21;
	s24 =	sadd.s32 $0x10, s21  }
0x42: {  	[tilespmem:s4], [sflag:$0x2] =	stream.linear.gather [hbm4b:s22+s4], $0x80, $0x38;
	[tilespmem:$0x1C100] =	vst v63  }
0x43: {  	p0 =	sne.s32 s21, $0x4E0;
	_ =	swait.ge [sflag:s15], $0x80  }
0x44: {  	[sflag:s15] =	ssyncset.done $0x0  }
0x45: {  	s21 =	sadd.s32 s20, s12;
	s20 =	smov.u32 s23;
	[sflag:s15] =	ssyncadd.s32 $0xFFFFFF80  }
0x46: {  	[tilespmem:s16], [sflag:$0x2] =	stream.linear.gather [hbm4b:s21+s4], $0x80, $0x38;
	[tilespmem:$0x1C100] =	vst v63  }
0x47: {  	_ =	swait.ge [sflag:s15], $0x80  }
0x48: {  	[sflag:s15] =	ssyncset.done $0x0  }
0x49: {  	[sflag:s15] =	ssyncadd.s32 $0xFFFFFF80  }
0x4a: {  	[tilespmem:s17], [sflag:$0x1] =	stream.indirect.gather [hbm4b:s2+s16], $0x80, s4, s16, $0xb8;
	[tilespmem:$0x1C100] =	vst v63  }
0x4b: {  	_ =	swait.ge [sflag:s18], $0x4000  }
.Ltmp1:
0x4c: {  	[sflag:s18] =	ssyncset.done $0x0;
	(pc) =	sbr.rel @p0 .LBB2_4-.Ltmp1, $4  }
0x4d: {  	[sflag:s18] =	ssyncadd.s32 $0xFFFFC000  }
0x4e: {  	[spmem:s3] =	stream.indirect.scatter.add.f32 [tilespmem:s17], [sflag:$0x2], $0x80, s16, s16, $0xb8;
	[tilespmem:$0x1C100] =	vst v63  }
0x4f: {  	_ =	swait.ge [sflag:s15], $0x4000  }
0x50: {  	s21 =	smov.u32 s24;
	[sflag:s15] =	ssyncset.done $0x0  }
0x51: {  	s21 =	sadd.s32 s20, s13;
	[sflag:s15] =	ssyncadd.s32 $0xFFFFC000  }
0x52: {  	[tilespmem:s4], [sflag:$0x2] =	stream.linear.gather [hbm4b:s21+s4], $0x80, $0x38;
	[tilespmem:$0x1C100] =	vst v63  }
0x53: {  	_ =	swait.ge [sflag:s15], $0x80  }
0x54: {  	[sflag:s15] =	ssyncset.done $0x0  }
0x55: {  	s29 =	sadd.s32 s20, s12;
	[sflag:s15] =	ssyncadd.s32 $0xFFFFFF80  }
0x56: {  	[tilespmem:s16], [sflag:$0x2] =	stream.linear.gather [hbm4b:s29+s4], $0x80, $0x38;
	[tilespmem:$0x1C100] =	vst v63  }
0x57: {  	_ =	swait.ge [sflag:s15], $0x80  }
0x58: {  	[sflag:s15] =	ssyncset.done $0x0  }
0x59: {  	[sflag:s15] =	ssyncadd.s32 $0xFFFFFF80  }
0x5a: {  	[tilespmem:s17], [sflag:$0x1] =	stream.indirect.gather [hbm4b:s2+s16], $0x80, s4, s16, $0xb8;
	[tilespmem:$0x1C100] =	vst v63  }
0x5b: {  	_ =	swait.ge [sflag:s18], $0x4000  }
0x5c: {  	[sflag:s18] =	ssyncset.done $0x0  }
0x5d: {  	[sflag:s18] =	ssyncadd.s32 $0xFFFFC000  }
0x5e: {  	[spmem:s3] =	stream.indirect.scatter.add.f32 [tilespmem:s17], [sflag:$0x2], $0x80, s16, s16, $0xb8;
	[tilespmem:$0x1C100] =	vst v63  }
0x5f: {  	_ =	swait.ge [sflag:s15], $0x4000  }
0x60: {  	s30 =	sshll.u32 s0, $0x6;
	s19 =	sadd.s32 $0x1, s19;
	[sflag:s15] =	ssyncset.done $0x0  }
0x61: {  	s31 =	sshrl.u32 s5, $0x3;
	p0 =	sne.s32 s19, s11;
	[sflag:s15] =	ssyncadd.s32 $0xFFFFC000  }
.Ltmp2:
0x62: {  	s20 =	sor.u32 $0x1C02, s30;
	[bflag:$0x0] =	sbarrier.arrive $0xFFFF;
	(pc) =	sbr.rel @p0 .LBB2_1-.Ltmp2, $4  }
0x63: {  	[hbm:s10], [sflag:s20] =	dma.local [spmem:s31], $0x2800  }
0x64: {  	_ =	swait.ge [sflag:s15], $0x2800  }
0x65: {  	[sflag:s15] =	ssyncset.done $0x0  }
0x66: {  	[sflag:s15] =	ssyncadd.s32 $0xFFFFD800  }
0x67: {  	_ =	sfence.sel $0x180000  }
0x68: {  	[bflag:$0x0] =	sbarrier.arrive $0xFFFF  }
0x69: {  	p0 =	sne.s32 s0, $0x0;
	_ =	strace $0x9000004D  }
0x6a: {  	s0 =	sadd.s32 @!p0 $0x100000, s1;
	[bflag:$0x2] =	sbarrier.arrive $0xFFFF  }
0x6b: {  	[sflag:s0] =	ssyncadd.tile.s32 @!p0 $0x1;
	_ =	shalt  }
.Lfunc_end2:
_tile_overlayer_lowered:
.L_overlay_start_2:
0x6c: {  	(tag) =	ssettag $0x2  }
0x6d: {  	s0 =	rddreg [dreg:$0x0];
	s2 =	stileid.u32  }
0x6e: {  	s1 =	rddreg [dreg:$0x1];
	p0 =	sne.s32 s2, $0x0  }
0x6f: {  	s3 =	rddreg [dreg:$0x2];
	[bflag:$0x3] =	sbarrier.arrive $0xFFFF;
	s2 =	simm.s32 @!p0 $0x1C02  }
0x70: {  	[timem:s3], [sflag:s2] =	dma.local @!p0 [hbm:s0], s1  }
0x71: {  	s0 =	simm.s32 @!p0 $0x2  }
0x72: {  	_ =	swait.ge @!p0 [sflag:s0], s1  }
0x73: {  	s1 =	ssub.s32 @!p0 $0x0, s1;
	[sflag:s0] =	ssyncset.done @!p0 $0x0  }
0x74: {  	[sflag:s0] =	ssyncadd.s32 @!p0 s1  }
0x75: {  	[bflag:$0x3] =	sbarrier.arrive $0xFFFF  }
0x76: {  	_ =	shalt  }

// kernel: kernel.8.cloned.1.call-start
scs
__scs_entry_jumppad:
0x0: {  	(pc) =	sbr.rel $0x88, $3  }
0x1: {  	(tag) =	ssettag $0x0;
	lr =	simm.s32 $0x1  }
0x2: {  	[smem:$0x3F9B] =	sst lr;
	_ =	strace $0xD0000000  }
0x3: {  	_ = 	snop  }
0x4: {  	_ = 	snop  }
0x5: {  	_ = 	snop  }
0x6: {  	_ = 	snop  }
0x7: {  	_ = 	snop  }
__scs_overlays_trampoline_lowered:
0x8: {  	[smem:$0x3FAA] =	sst s0  }
0x9: {  	[smem:$0x3FAB] =	sst s1  }
0xa: {  	[smem:$0x3FAC] =	sst s2  }
0xb: {  	[smem:$0x3FAD] =	sst s3  }
0xc: {  	[smem:$0x3FAE] =	sst s4  }
0xd: {  	[smem:$0x3FAF] =	sst s5  }
0xe: {  	[smem:$0x3FB0] =	sst s6  }
0xf: {  	[smem:$0x3FB1] =	sst s7  }
0x10: {  	[smem:$0x3FB2] =	sst s8  }
0x11: {  	[smem:$0x3FB3] =	sst s9;
	s0 =	simm.s32 @!p0 $0x0  }
0x12: {  	s1 =	sld [smem:$0x3F99];
	s0 =	simm.s32 @p0 $0x1  }
0x13: {  	[smem:$0x3FB4] =	sst s0;
	s0 =	simm.s32 @!p1 $0x0  }
0x14: {  	s2 =	sld [smem:$0x3F98];
	s0 =	simm.s32 @p1 $0x1  }
0x15: {  	[smem:$0x3FB5] =	sst s0;
	s0 =	simm.s32 @!p2 $0x0  }
0x16: {  	s3 =	sld [smem:$0x3FDB];
	s0 =	simm.s32 @p2 $0x1  }
0x17: {  	s4 =	simm.s32 $0x1BF5;
	[smem:$0x3FB7] =	sst s0  }
0x18: {  	s0 =	sld [smem:$0x3F9A];
	_ =	swait.ge [sflag:s4], $0x0  }
0x19: {  	s7 =	sld [smem:$0x3F9B]  }
0x1a: {  	s8 =	sadd.s32 $0xFFFFE003, lr  }
0x1b: {  	s9 =	sadd.s32 $0xFFFFFEF7, lr;
	s5 =	simm.s32 $0xFFFFFFFF;
	p2 =	slt.u32 s8, $0xFFFFF086  }
0x1c: {  	p1 =	slt.u32 s9, $0xF7A;
	s5 =	simm.s32 @!p2 $0x0  }
0x1d: {  	s5 =	simm.s32 @p1 $0x1;
	p0 =	seq.s32 s7, s2  }
0x1e: {  	s7 =	smul.u32 @!p0 $0xF7A, s2;
	p2 =	seq.s32 @!p0 s5, $0x0  }
0x1f: {  	s9 =	smul.u32 $0xF7A, s1;
	s8 =	simm.s32 @!p0 $0x1BF5;
	p2 =	por !p2, p0  }
0x20: {  	[sflag:s8] =	ssyncset.s32 @!p0 $0xFFFFF086;
	s6 =	sadd.s32 @!p0 s3, s7;
	s7 =	simm.s32 @!p0 $0x108  }
0x21: {  	s3 =	sadd.s32 s3, s9;
	s6 =	sadd.s32 @!p0 $0x88, s6;
	s7 =	simm.s32 @p2 $0x1082  }
0x22: {  	[simem:s7], [sflag:s8] =	dma.local @!p0 [hbm:s6], $0xF7A  }
0x23: {  	s9 =	sor.u32 $0xD0000000, s2;
	s6 =	simm.s32 $0x108;
	_ =	swait.ge @!p0 [sflag:s8], $0x0  }
0x24: {  	s3 =	sadd.s32 $0x88, s3;
	s6 =	simm.s32 @!p1 $0x1082;
	[sflag:s4] =	ssyncset.s32 $0xFFFFF086  }
0x25: {  	[simem:s6], [sflag:s4] =	dma.local [hbm:s3], $0xF7A  }
0x26: {  	[smem:$0x3F9B] =	sst s1;
	(tag) =	ssettag s2;
	_ =	strace s9  }
0x27: {  	s1 =	sld [smem:$0x3FAB]  }
0x28: {  	s2 =	sld [smem:$0x3FAC]  }
0x29: {  	s4 =	sld [smem:$0x3FAE]  }
0x2a: {  	p0 =	seq.s32 s5, $0x0;
	s5 =	sld [smem:$0x3FAF]  }
0x2b: {  	s6 =	sld [smem:$0x3FB0]  }
0x2c: {  	s7 =	sld [smem:$0x3FB1]  }
0x2d: {  	s3 =	simm.s32 $0x108;
	s8 =	sld [smem:$0x3FB2]  }
0x2e: {  	s3 =	simm.s32 @!p0 $0x1082;
	s9 =	sld [smem:$0x3FB3]  }
0x2f: {  	lr =	sadd.s32 s0, s3;
	s0 =	sld [smem:$0x3FAA]  }
0x30: {  	s3 =	sld [smem:$0x3FAD]  }
0x31: {  	[smem:$0x3FB6] =	sst s10  }
0x32: {  	s10 =	sld [smem:$0x3FB4];
	_ =	sdelay $0x3  }
0x33: {  	p0 =	seq.s32 s10, $0x1;
	s10 =	sld [smem:$0x3FB6];
	_ =	sdelay $0x3  }
0x34: {  	[smem:$0x3FB6] =	sst s10  }
0x35: {  	s10 =	sld [smem:$0x3FB5];
	_ =	sdelay $0x3  }
0x36: {  	p1 =	seq.s32 s10, $0x1;
	s10 =	sld [smem:$0x3FB6];
	_ =	sdelay $0x3  }
0x37: {  	[smem:$0x3FB6] =	sst s10  }
0x38: {  	s10 =	sld [smem:$0x3FB7]  }
0x39: {  	_ = 	snop;
	(pc) =	sbr.ind lr, $3  }
0x3a: {  	_ = 	snop  }
0x3b: {  	_ = 	snop  }
0x3c: {  	p2 =	seq.s32 s10, $0x1;
	s10 =	sld [smem:$0x3FB6]  }
0x3d: {  	_ =	shalt  }
0x3e: {  	_ =	shalt  }
0x3f: {  	_ =	shalt  }
0x40: {  	_ =	shalt  }
0x41: {  	_ =	shalt  }
0x42: {  	_ =	shalt  }
0x43: {  	_ =	shalt  }
0x44: {  	_ =	shalt  }
0x45: {  	_ =	shalt  }
0x46: {  	_ =	shalt  }
0x47: {  	_ =	shalt  }
0x48: {  	_ =	shalt  }
0x49: {  	_ =	shalt  }
0x4a: {  	_ =	shalt  }
0x4b: {  	_ =	shalt  }
0x4c: {  	_ =	shalt  }
0x4d: {  	_ =	shalt  }
0x4e: {  	_ =	shalt  }
0x4f: {  	_ =	shalt  }
0x50: {  	_ =	shalt  }
0x51: {  	_ =	shalt  }
0x52: {  	_ =	shalt  }
0x53: {  	_ =	shalt  }
0x54: {  	_ =	shalt  }
0x55: {  	_ =	shalt  }
0x56: {  	_ =	shalt  }
0x57: {  	_ =	shalt  }
0x58: {  	_ =	shalt  }
0x59: {  	_ =	shalt  }
0x5a: {  	_ =	shalt  }
0x5b: {  	_ =	shalt  }
0x5c: {  	_ =	shalt  }
0x5d: {  	_ =	shalt  }
0x5e: {  	_ =	shalt  }
0x5f: {  	_ =	shalt  }
0x60: {  	_ =	shalt  }
0x61: {  	_ =	shalt  }
0x62: {  	_ =	shalt  }
0x63: {  	_ =	shalt  }
0x64: {  	_ =	shalt  }
0x65: {  	_ =	shalt  }
0x66: {  	_ =	shalt  }
0x67: {  	_ =	shalt  }
0x68: {  	_ =	shalt  }
0x69: {  	_ =	shalt  }
0x6a: {  	_ =	shalt  }
0x6b: {  	_ =	shalt  }
0x6c: {  	_ =	shalt  }
0x6d: {  	_ =	shalt  }
0x6e: {  	_ =	shalt  }
0x6f: {  	_ =	shalt  }
0x70: {  	_ =	shalt  }
0x71: {  	_ =	shalt  }
0x72: {  	_ =	shalt  }
0x73: {  	_ =	shalt  }
0x74: {  	_ =	shalt  }
0x75: {  	_ =	shalt  }
0x76: {  	_ =	shalt  }
0x77: {  	_ =	shalt  }
0x78: {  	_ =	shalt  }
0x79: {  	_ =	shalt  }
0x7a: {  	_ =	shalt  }
0x7b: {  	_ =	shalt  }
0x7c: {  	_ =	shalt  }
0x7d: {  	_ =	shalt  }
0x7e: {  	_ =	shalt  }
0x7f: {  	_ =	shalt  }
0x80: {  	_ =	shalt  }
0x81: {  	_ =	shalt  }
0x82: {  	_ =	shalt  }
0x83: {  	_ =	shalt  }
0x84: {  	_ =	shalt  }
0x85: {  	_ =	shalt  }
0x86: {  	_ =	shalt  }
0x87: {  	_ =	shalt  }
.Lfunc_end0:
.L_simem_size_0:
called_computation_lowered:
.L_overlay_start_0:
0x88: {  	s2 =	sld [smem:$0x3FD9]  }
0x89: {  	s3 =	sld [smem:$0x3FFE];
	_ =	sdelay $0x1  }
0x8a: {  	s1 =	srdreg.scid  }
0x8b: {  	s0 =	sand.u32 $0x1, s1  }
0x8c: {  	s17 =	sshll.u32 s0, $0xA;
	s2 =	sadd.s32 s3, s2  }
0x8d: {  	s2 =	sadd.s32 s2, s17  }
0x8e: {  	[smem:$0x3FC2] =	sst s2  }
0x8f: {  	_ = 	snop  }
0x90: {  	s2 =	sld [smem:$0x3FD0];
	(tm) =	ssettm $0x1  }
0x91: {  	s18 =	sld [smem:$0x3FFB];
	_ =	sdelay $0x3  }
0x92: {  	_ =	strace s18  }
0x93: {  	s3 =	sld [smem:$0x3FFC];
	_ =	sdelay $0x3  }
0x94: {  	_ =	strace s3  }
0x95: {  	s3 =	sld [smem:$0x3FFD];
	_ =	sdelay $0x3  }
0x96: {  	_ =	strace s3  }
0x97: {  	_ =	strace $0x8FFFFFFF  }
0x98: {  	s19 =	sld [smem:$0x3FDB];
	_ =	sdelay $0x1  }
0x99: {  	s4 =	simm.s32 $_scs_section_size  }
0x9a: {  	s5 =	simm.s32 $_size__tile_overlayer_lowered;
	s6 =	simm.s32 $_tile_overlayer_lowered  }
0x9b: {  	s22 =	simm.s32 $0x1BFF;
	s21 =	sshll.u32 s6, $0x1;
	s3 =	sadd.s32 s4, s19  }
0x9c: {  	s7 =	simm.s32 $0x0;
	s20 =	sshll.u32 s5, $0x1;
	s5 =	sadd.s32 s21, s3  }
0x9d: {  	[timem:s7], [sflag:s22] =	dma.local [hbm:s5], s20  }
0x9e: {  	_ =	swait.ge [sflag:s22], s20  }
0x9f: {  	s4 =	ssub.s32 $0x0, s20;
	[sflag:s22] =	ssyncset.done $0x0  }
0xa0: {  	[sflag:s22] =	ssyncadd.s32 s4;
	_ =	sdelay $0x1  }
0xa1: {  	s23 =	simm.s32 $0x1B8B  }
0xa2: {  	_ =	swait.ge [sflag:s23], $0x1  }
0xa3: {  	[sflag:s23] =	ssyncset.done $0x0  }
0xa4: {  	s25 =	simm.s32 $0x1B8E;
	s24 =	sld [smem:$0x3FFE];
	[sflag:s23] =	ssyncadd.s32 $0xFFFFFFFF  }
0xa5: {  	s26 =	simm.s32 $execute0_lowered;
	[smem:$0x3FD2] =	sst s25  }
0xa6: {  	s5 =	sshll.u32 s26, $0x1;
	_ =	strace $0x80000046;
	[dreg:$0x1] =	wrdreg $0xFFFFFFFF  }
0xa7: {  	s28 =	simm.s32 $_size_execute0_lowered;
	s3 =	sadd.s32 s3, s5;
	[dreg:$0x0] =	wrdreg $0x0  }
0xa8: {  	s5 =	sshll.u32 s28, $0x1;
	[dreg:$0x2] =	wrdreg s3  }
0xa9: {  	[dreg:$0x3] =	wrdreg s5  }
0xaa: {  	[dreg:$0x4] =	wrdreg $0xC0  }
0xab: {  	_ =	task [dreg:s7], $0x5FFFF  }
0xac: {  	[dreg:$0x1] =	wrdreg $0xFFFFFFFF  }
0xad: {  	[dreg:$0x0] =	wrdreg $0x60  }
0xae: {  	[dreg:$0x2] =	wrdreg s24  }
0xaf: {  	[dreg:$0x3] =	wrdreg s2  }
0xb0: {  	[dreg:$0x4] =	wrdreg $0x56200  }
0xb1: {  	[dreg:$0x5] =	wrdreg $0x9  }
0xb2: {  	_ =	task.clear_ibuf [dreg:s7], $0x6FFFF;
	_ =	strace $0x90000046  }
0xb3: {  	s29 =	simm.s32 $0x9;
	_ =	strace $0x80000048  }
0xb4: {  	_ =	swait.ge [sflag:s29], $0x1  }
0xb5: {  	[sflag:s29] =	ssyncadd.s32 $0xFFFFFFFF  }
0xb6: {  	_ =	strace $0x90000048  }
0xb7: {  	_ =	sfence  }
0xb8: {  	s30 =	sld [smem:$0x0];
	_ =	sdelay $0x2  }
0xb9: {  	s31 =	sshll.u32 s1, $0xD;
	s1 =	sshrl.u32 s1, $0x2  }
0xba: {  	s3 =	sand.u32 $0x4000, s31;
	s1 =	sadd.s32 s1, s30  }
0xbb: {  	s0 =	sor.u32 s3, s0;
	s1 =	sshll.u32 s1, $0x11  }
0xbc: {  	s0 =	sor.u32 s1, s0  }
0xbd: {  	s0 =	sadd.s32 $0x8F2B, s0  }
0xbe: {  	[sflag:s0] =	ssyncadd.remote.s32 $0x1  }
0xbf: {  	_ =	sfence.sel $0xFFFF  }
0xc0: {  	[dreg:$0x0] =	wrdreg $0xFFFFFFFF;
	(pc) =	sbr.abs _section_cstart, $3  }
0xc1: {  	[dreg:$0x1] =	wrdreg $0xFFFFFFFF  }
0xc2: {  	_ =	task.clear_ibuf [dreg:s7], $0x2FFFF;
	_ =	strace $0x9FFFFFFF  }
0xc3: {  	(tm) =	ssettm $0x7FFFFFFF  }
tec
execute0_lowered:
.L_overlay_start_1:
0x0: {  	(tag) =	ssettag $0x1  }
0x1: {  	s3 =	rddreg [dreg:$0x0]  }
0x2: {  	s8 =	rddreg [dreg:$0x1]  }
0x3: {  	s7 =	rddreg [dreg:$0x2]  }
0x4: {  	s1 =	srdreg.scid;
	s0 =	rddreg [dreg:$0x3]  }
0x5: {  	s2 =	simm.s32 $0x0;
	s16 =	simm.s32 $0x5080;
	s17 =	simm.s32 $0x2800  }
0x6: {  	s18 =	simm.s32 $0x5100;
	s4 =	sand.u32 $0x1, s1;
	s1 =	stileid.u32  }
0x7: {  	s19 =	simm.s32 $0x5110;
	s20 =	simm.s32 $0x5120;
	s6 =	smul.u32 $0x14000, s1  }
0x8: {  	s21 =	simm.s32 $0x53A0;
	s22 =	simm.s32 $0x0;
	s10 =	smul.u32 $0x280, s1  }
0x9: {  	[smem:$0x7FF] =	sst s2;
	s13 =	sadd.s32 $0xD400, s3;
	s31 =	smul.u32 $0x5000, s4  }
0xa: {  	s12 =	sadd.s32 $0x3600, s3;
	s5 =	sshll.u32 s4, $0x4;
	s14 =	smul.u32 $0x27100, s4  }
0xb: {  	s30 =	ssub.s32 $0x2, s4;
	s15 =	smul.u32 $0x2710, s1;
	s5 =	sor.u32 s1, s5  }
0xc: {  	_ =	strace $0x80000047;
	s9 =	sshrl.u32 s30, $0x1;
	s5 =	smul.u32 $0x2710, s5  }
0xd: {  	s11 =	ssub.s32 s30, s9;
	s6 =	sshrl.u32 s6, $0x2;
	s9 =	sadd.s32 s10, s31  }
0xe: {  	s14 =	sadd.s32 s15, s14;
	s15 =	simm.s32 $0x1;
	s4 =	sadd.s32 s6, s7  }
0xf: {  	s9 =	sshrl.u32 s9, $0x3;
	s7 =	sadd.s32 s10, s7;
	s14 =	sshrl.u32 s14, $0x3  }
0x10: {  	s11 =	smax.u32 s11, $0x1;
	s5 =	sshrl.u32 s5, $0x3;
	s6 =	sadd.s32 $0x2800, s4  }
0x11: {  	s8 =	sadd.s32 s8, s9;
	s9 =	sadd.s32 $0x2800, s7;
	s5 =	sadd.s32 $0x4E0, s5  }
0x12: {  	s10 =	sadd.s32 $0x500, s8;
	s3 =	sadd.s32 s13, s5;
	s5 =	sadd.s32 s12, s5  }
0x13: {  	v0 =	vimm.f32 $0.0e+00;
	v1 =	vimm.f32 $1.000000000e+00;
	s12 =	sadd.s32 s14, s12;
	s13 =	sadd.s32 s14, s13;
	s14 =	simm.s32 $0x5000  }
.LBB2_1:
0x14: {  	s23 =	simm.s32 $0x0  }
.LBB2_2:
0x15: {  	p0 =	sne.s32 s23, $0x9FC0  }
.Ltmp0:
0x16: {  	_ = 	snop;
	(pc) =	sbr.rel @p0 .LBB2_2-.Ltmp0, $4  }
0x17: {  	_ = 	snop  }
0x18: {  	s24 =	sshra.s32 s23, $0x2  }
0x19: {  	[tilespmem:s24+$0x0] =	vst v0  }
0x1a: {  	s23 =	sadd.s32 $0x40, s23;
	[tilespmem:s24+$0x2800] =	vst v0  }
0x1b: {  	s23 =	simm.s32 $0x0  }
.LBB2_4:
0x1c: {  	s24 =	sadd.s32 s23, s13  }
0x1d: {  	[tilespmem:s14], [sflag:$0x1] =	stream.linear.gather [hbm4b:s24+s2], $0x80, $0x38;
	[tilespmem:$0xA620] =	vst v63  }
0x1e: {  	_ =	swait.ge [sflag:s15], $0x80  }
0x1f: {  	[sflag:s15] =	ssyncset.done $0x0  }
0x20: {  	s31 =	sadd.s32 s23, s12;
	[sflag:s15] =	ssyncadd.s32 $0xFFFFFF80  }
0x21: {  	[tilespmem:s16], [sflag:$0x1] =	stream.linear.gather [hbm4b:s31+s2], $0x80, $0x38;
	[tilespmem:$0xA620] =	vst v63  }
0x22: {  	_ =	swait.ge [sflag:s15], $0x80  }
0x23: {  	[sflag:s15] =	ssyncset.done $0x0  }
0x24: {  	[sflag:s15] =	ssyncadd.s32 $0xFFFFFF80  }
0x25: {  	v2 =	vld [tilespmem:$0x5000];
	_ =	sdelay $0x7  }
0x26: {  	[tilespmem:v2+s2+$0x0] =	vst.idx.add.f32.msk $0xffff, v1  }
0x27: {  	v2 =	vld [tilespmem:$0x5080];
	_ =	sdelay $0x7  }
0x28: {  	[tilespmem:v2+s17+$0x0] =	vst.idx.add.f32.msk $0xffff, v1  }
0x29: {  	v2 =	vld [tilespmem:$0x5010];
	_ =	sdelay $0x7  }
0x2a: {  	[tilespmem:v2+s2+$0x0] =	vst.idx.add.f32.msk $0xffff, v1  }
0x2b: {  	v2 =	vld [tilespmem:$0x5090];
	_ =	sdelay $0x7  }
0x2c: {  	[tilespmem:v2+s17+$0x0] =	vst.idx.add.f32.msk $0xffff, v1  }
0x2d: {  	v2 =	vld [tilespmem:$0x5020];
	_ =	sdelay $0x7  }
0x2e: {  	[tilespmem:v2+s2+$0x0] =	vst.idx.add.f32.msk $0xffff, v1  }
0x2f: {  	v2 =	vld [tilespmem:$0x50A0];
	_ =	sdelay $0x7  }
0x30: {  	[tilespmem:v2+s17+$0x0] =	vst.idx.add.f32.msk $0xffff, v1  }
0x31: {  	v2 =	vld [tilespmem:$0x5030];
	_ =	sdelay $0x7  }
0x32: {  	[tilespmem:v2+s2+$0x0] =	vst.idx.add.f32.msk $0xffff, v1  }
0x33: {  	v2 =	vld [tilespmem:$0x50B0];
	_ =	sdelay $0x7  }
0x34: {  	[tilespmem:v2+s17+$0x0] =	vst.idx.add.f32.msk $0xffff, v1  }
0x35: {  	v2 =	vld [tilespmem:$0x5040];
	_ =	sdelay $0x7  }
0x36: {  	[tilespmem:v2+s2+$0x0] =	vst.idx.add.f32.msk $0xffff, v1  }
0x37: {  	v2 =	vld [tilespmem:$0x50C0];
	_ =	sdelay $0x7  }
0x38: {  	[tilespmem:v2+s17+$0x0] =	vst.idx.add.f32.msk $0xffff, v1  }
0x39: {  	v2 =	vld [tilespmem:$0x5050];
	_ =	sdelay $0x7  }
0x3a: {  	[tilespmem:v2+s2+$0x0] =	vst.idx.add.f32.msk $0xffff, v1  }
0x3b: {  	v2 =	vld [tilespmem:$0x50D0];
	_ =	sdelay $0x7  }
0x3c: {  	[tilespmem:v2+s17+$0x0] =	vst.idx.add.f32.msk $0xffff, v1  }
0x3d: {  	v2 =	vld [tilespmem:$0x5060];
	_ =	sdelay $0x7  }
0x3e: {  	[tilespmem:v2+s2+$0x0] =	vst.idx.add.f32.msk $0xffff, v1  }
0x3f: {  	v2 =	vld [tilespmem:$0x50E0];
	_ =	sdelay $0x7  }
0x40: {  	[tilespmem:v2+s17+$0x0] =	vst.idx.add.f32.msk $0xffff, v1  }
0x41: {  	v2 =	vld [tilespmem:$0x5070];
	_ =	sdelay $0x7  }
0x42: {  	[tilespmem:v2+s2+$0x0] =	vst.idx.add.f32.msk $0xffff, v1  }
0x43: {  	v2 =	vld [tilespmem:$0x50F0];
	_ =	sdelay $0x2  }
0x44: {  	p0 =	sne.s32 s23, $0x4D0  }
.Ltmp1:
0x45: {  	_ = 	snop;
	(pc) =	sbr.rel @p0 .LBB2_4-.Ltmp1, $2  }
0x46: {  	_ =	sdelay $0x2  }
0x47: {  	s23 =	sadd.s32 $0x10, s23;
	[tilespmem:v2+s17+$0x0] =	vst.idx.add.f32.msk $0xffff, v1  }
0x48: {  	[tilespmem:s18], [sflag:$0x1] =	stream.linear.gather [hbm4b:s3+s2], $0x10, $0x38;
	[tilespmem:$0xA620] =	vst v63  }
0x49: {  	s23 =	simm.s32 $0x1  }
0x4a: {  	_ =	swait.ge [sflag:s23], $0x10  }
0x4b: {  	[sflag:s23] =	ssyncset.done $0x0  }
0x4c: {  	[sflag:s23] =	ssyncadd.s32 $0xFFFFFFF0  }
0x4d: {  	[tilespmem:s19], [sflag:$0x1] =	stream.linear.gather [hbm4b:s5+s2], $0x10, $0x38;
	[tilespmem:$0xA620] =	vst v63  }
0x4e: {  	_ =	swait.ge [sflag:s23], $0x10  }
0x4f: {  	[sflag:s23] =	ssyncset.done $0x0  }
0x50: {  	[sflag:s23] =	ssyncadd.s32 $0xFFFFFFF0  }
0x51: {  	v2 =	vld [tilespmem:$0x5100];
	_ =	sdelay $0x7  }
0x52: {  	[tilespmem:v2+s2+$0x0] =	vst.idx.add.f32.msk $0xffff, v1  }
0x53: {  	v2 =	vld [tilespmem:$0x5110];
	_ =	sdelay $0x7  }
0x54: {  	[tilespmem:v2+s17+$0x0] =	vst.idx.add.f32.msk $0xffff, v1  }
0x55: {  	[spmem:s4] =	stream.linear.scatter [tilespmem:s2], [sflag:$0x1], $0x2800, $0x38;
	[tilespmem:$0xA620] =	vst v63  }
0x56: {  	_ =	swait.ge [sflag:s23], $0x2800  }
0x57: {  	[sflag:s23] =	ssyncset.done $0x0  }
0x58: {  	[sflag:s23] =	ssyncadd.s32 $0xFFFFD800  }
0x59: {  	[spmem:s6] =	stream.linear.scatter [tilespmem:s17], [sflag:$0x1], $0x2800, $0x38;
	[tilespmem:$0xA620] =	vst v63  }
0x5a: {  	_ =	swait.ge [sflag:s23], $0x2800  }
0x5b: {  	[sflag:s23] =	ssyncset.done $0x0  }
0x5c: {  	[sflag:s23] =	ssyncadd.s32 $0xFFFFD800  }
0x5d: {  	[bflag:$0x0] =	sbarrier.arrive $0xFFFF  }
0x5e: {  	[tilespmem:s20], [sflag:$0x1] =	stream.linear.gather [spmem:s7], $0x280, $0x38;
	[tilespmem:$0xA620] =	vst v63  }
0x5f: {  	_ =	swait.ge [sflag:s23], $0x280  }
0x60: {  	[sflag:s23] =	ssyncset.done $0x0  }
0x61: {  	[sflag:s23] =	ssyncadd.s32 $0xFFFFFD80  }
.LBB2_6:
0x62: {  	s24 =	smul.u32 $0x14000, s23;
	_ =	sdelay $0x1  }
0x63: {  	s24 =	sshra.s32 s24, $0x2  }
0x64: {  	s24 =	sadd.s32 s24, s7  }
0x65: {  	[tilespmem:s21], [sflag:$0x1] =	stream.linear.gather [spmem:s24], $0x280, $0x38;
	[tilespmem:$0xA620] =	vst v63  }
0x66: {  	_ =	swait.ge [sflag:s15], $0x280  }
0x67: {  	[sflag:s15] =	ssyncset.done $0x0  }
0x68: {  	s24 =	simm.s32 $0x0;
	[sflag:s15] =	ssyncadd.s32 $0xFFFFFD80  }
0x69: {  	s25 =	simm.s32 $0x40;
	v2 =	vld [tilespmem:s24+$0x53A0]  }
.LBB2_7:
0x6a: {  	p0 =	sne.s32 s25, $0x9C0;
	v3 =	vld [tilespmem:s24+$0x5120];
	_ =	sdelay $0x2  }
.Ltmp2:
0x6b: {  	(pc) =	sbr.rel @p0 .LBB2_7-.Ltmp2, $4  }
0x6c: {  	_ = 	snop  }
0x6d: {  	v3 =	vadd.f32 v2, v3  }
0x6e: {  	s26 =	sshra.s32 s25, $0x2  }
0x6f: {  	s25 =	sadd.s32 $0x40, s25;
	v2 =	vld [tilespmem:s26+$0x53A0];
	[tilespmem:s24+$0x5120] =	vst v3;
	s24 =	smov.u32 s26  }
0x70: {  	v3 =	vld [tilespmem:s24+$0x5120]  }
0x71: {  	s23 =	sadd.s32 $0x1, s23  }
0x72: {  	p0 =	sne.s32 s23, $0x10  }
.Ltmp3:
0x73: {  	_ = 	snop;
	(pc) =	sbr.rel @p0 .LBB2_6-.Ltmp3, $3  }
0x74: {  	_ = 	snop  }
0x75: {  	v2 =	vadd.f32 v2, v3;
	_ =	sdelay $0x1  }
0x76: {  	[tilespmem:s24+$0x5120] =	vst v2  }
0x77: {  	[hbm4b:s8+s2] =	stream.linear.scatter [tilespmem:s20], [sflag:$0x1], $0x280, $0x38;
	[tilespmem:$0xA620] =	vst v63  }
0x78: {  	s23 =	simm.s32 $0x1  }
0x79: {  	_ =	swait.ge [sflag:s23], $0x280  }
0x7a: {  	[sflag:s23] =	ssyncset.done $0x0  }
0x7b: {  	[sflag:s23] =	ssyncadd.s32 $0xFFFFFD80  }
0x7c: {  	[tilespmem:s20], [sflag:$0x1] =	stream.linear.gather [spmem:s9], $0x280, $0x38;
	[tilespmem:$0xA620] =	vst v63  }
0x7d: {  	_ =	swait.ge [sflag:s23], $0x280  }
0x7e: {  	[sflag:s23] =	ssyncset.done $0x0  }
0x7f: {  	[sflag:s23] =	ssyncadd.s32 $0xFFFFFD80  }
.LBB2_10:
0x80: {  	s24 =	smul.u32 $0x14000, s23;
	_ =	sdelay $0x1  }
0x81: {  	s24 =	sshra.s32 s24, $0x2  }
0x82: {  	s24 =	sadd.s32 s24, s7  }
0x83: {  	s24 =	sadd.s32 $0x2800, s24  }
0x84: {  	[tilespmem:s21], [sflag:$0x1] =	stream.linear.gather [spmem:s24], $0x280, $0x38;
	[tilespmem:$0xA620] =	vst v63  }
0x85: {  	_ =	swait.ge [sflag:s15], $0x280  }
0x86: {  	[sflag:s15] =	ssyncset.done $0x0  }
0x87: {  	s24 =	simm.s32 $0x0;
	[sflag:s15] =	ssyncadd.s32 $0xFFFFFD80  }
0x88: {  	s25 =	simm.s32 $0x40;
	v2 =	vld [tilespmem:s24+$0x53A0]  }
.LBB2_11:
0x89: {  	p0 =	sne.s32 s25, $0x9C0;
	v3 =	vld [tilespmem:s24+$0x5120];
	_ =	sdelay $0x2  }
.Ltmp4:
0x8a: {  	(pc) =	sbr.rel @p0 .LBB2_11-.Ltmp4, $4  }
0x8b: {  	_ = 	snop  }
0x8c: {  	v3 =	vadd.f32 v2, v3  }
0x8d: {  	s26 =	sshra.s32 s25, $0x2  }
0x8e: {  	s25 =	sadd.s32 $0x40, s25;
	v2 =	vld [tilespmem:s26+$0x53A0];
	[tilespmem:s24+$0x5120] =	vst v3;
	s24 =	smov.u32 s26  }
0x8f: {  	v3 =	vld [tilespmem:s24+$0x5120]  }
0x90: {  	s23 =	sadd.s32 $0x1, s23  }
0x91: {  	p0 =	sne.s32 s23, $0x10  }
.Ltmp5:
0x92: {  	_ = 	snop;
	(pc) =	sbr.rel @p0 .LBB2_10-.Ltmp5, $3  }
0x93: {  	_ = 	snop  }
0x94: {  	v2 =	vadd.f32 v2, v3;
	_ =	sdelay $0x1  }
0x95: {  	[tilespmem:s24+$0x5120] =	vst v2  }
0x96: {  	s22 =	sadd.s32 $0x1, s22  }
0x97: {  	p0 =	sne.s32 s22, s11  }
.Ltmp6:
0x98: {  	_ = 	snop;
	(pc) =	sbr.rel @p0 .LBB2_1-.Ltmp6, $4  }
0x99: {  	[hbm4b:s10+s2] =	stream.linear.scatter [tilespmem:s20], [sflag:$0x1], $0x280, $0x38;
	[tilespmem:$0xA620] =	vst v63  }
0x9a: {  	_ =	swait.ge [sflag:s15], $0x280  }
0x9b: {  	[sflag:s15] =	ssyncset.done $0x0  }
0x9c: {  	[sflag:s15] =	ssyncadd.s32 $0xFFFFFD80  }
0x9d: {  	_ =	sfence.sel $0x180000  }
0x9e: {  	[bflag:$0x0] =	sbarrier.arrive $0xFFFF  }
0x9f: {  	p0 =	sne.s32 s1, $0x0;
	_ =	strace $0x90000047  }
0xa0: {  	s0 =	sadd.s32 @!p0 $0x100000, s0;
	[bflag:$0x2] =	sbarrier.arrive $0xFFFF  }
0xa1: {  	[sflag:s0] =	ssyncadd.tile.s32 @!p0 $0x1;
	_ =	shalt  }
.Lfunc_end2:
_tile_overlayer_lowered:
.L_overlay_start_2:
0xa2: {  	(tag) =	ssettag $0x2  }
0xa3: {  	s0 =	rddreg [dreg:$0x0];
	s2 =	stileid.u32  }
0xa4: {  	s1 =	rddreg [dreg:$0x1];
	p0 =	sne.s32 s2, $0x0  }
0xa5: {  	s3 =	rddreg [dreg:$0x2];
	[bflag:$0x3] =	sbarrier.arrive $0xFFFF;
	s2 =	simm.s32 @!p0 $0x1C01  }
0xa6: {  	[timem:s3], [sflag:s2] =	dma.local @!p0 [hbm:s0], s1  }
0xa7: {  	s0 =	simm.s32 @!p0 $0x1  }
0xa8: {  	_ =	swait.ge @!p0 [sflag:s0], s1  }
0xa9: {  	s1 =	ssub.s32 @!p0 $0x0, s1;
	[sflag:s0] =	ssyncset.done @!p0 $0x0  }
0xaa: {  	[sflag:s0] =	ssyncadd.s32 @!p0 s1  }
0xab: {  	[bflag:$0x3] =	sbarrier.arrive $0xFFFF  }
0xac: {  	_ =	shalt  }

</sc_bundles>
